<compile_context>
chip_gen: v7x
topology: tpu7x:2x2x1
jax: 0.10.2.dev20260603
libtpu: 0.0.44.dev20260713+nightly
codegen_flags: <defaults>
</compile_context>

<pallas_src>
import functools
import math

import jax
import jax.numpy as jnp
from jax import lax
from jax.experimental import pallas as pl
from jax.experimental.pallas import tpu as pltpu
from jax.experimental.pallas import tpu_sc as plsc

N = 10000
E = 320000
C = 128
H = 8
DK = 16
T = 4
R = 4
NR = N * R
NP = 10048
NW = 32
CB = 256
SUB = CB // 128
EPW = 10240
EP = EPW * NW
NCH = EPW // CB
ROWS_PW = EPW // 128
SQRT_DK = math.sqrt(DK)

_f32 = jnp.float32
_i32 = jnp.int32


def _proj_body(x_ref, w_ref, b_ref, kt_ref, q_ref, vt_ref):
    y = jnp.dot(x_ref[...], w_ref[...], preferred_element_type=_f32) + b_ref[...]
    kt_ref[...] = y[:, :512]
    q_ref[...] = y[:, 512:1024]
    vt_ref[...] = y[:, 1024:]


def _run_proj(x, wbig, bbig):
    nb = 10
    blk = N // nb
    return pl.pallas_call(
        _proj_body,
        grid=(nb,),
        in_specs=[
            pl.BlockSpec((blk, C), lambda i: (i, 0)),
            pl.BlockSpec((C, 3 * 512), lambda i: (0, 0)),
            pl.BlockSpec((1, 3 * 512), lambda i: (0, 0)),
        ],
        out_specs=[
            pl.BlockSpec((blk, 512), lambda i: (i, 0)),
            pl.BlockSpec((blk, 512), lambda i: (i, 0)),
            pl.BlockSpec((blk, 512), lambda i: (i, 0)),
        ],
        out_shape=[jax.ShapeDtypeStruct((N, 512), _f32)] * 3,
    )(x, wbig, bbig)


def _edge_body(gk_ref, gq_ref, gv_ref, s_ref, x_ref, ex_ref, w_ref):
    z = jnp.dot(gk_ref[...] * gq_ref[...], s_ref[...],
                preferred_element_type=_f32)
    ex = jnp.exp(z)
    ex_ref[...] = ex
    w_ref[...] = gv_ref[...] * jnp.dot(ex[:, :16], x_ref[...],
                                       preferred_element_type=_f32)


def _run_edge(gk, gq, gv, s16, x16):
    blk = 2048
    nb = EP // blk
    return pl.pallas_call(
        _edge_body,
        grid=(nb,),
        in_specs=[
            pl.BlockSpec((blk, C), lambda i: (i, 0)),
            pl.BlockSpec((blk, C), lambda i: (i, 0)),
            pl.BlockSpec((blk, C), lambda i: (i, 0)),
            pl.BlockSpec((C, C), lambda i: (0, 0)),
            pl.BlockSpec((16, C), lambda i: (0, 0)),
        ],
        out_specs=[
            pl.BlockSpec((blk, C), lambda i: (i, 0)),
            pl.BlockSpec((blk, C), lambda i: (i, 0)),
        ],
        out_shape=[jax.ShapeDtypeStruct((EP, C), _f32),
                   jax.ShapeDtypeStruct((EP, C), _f32)],
    )(gk, gq, gv, s16, x16)


def _final_body(s0_ref, s1_ref, d0_ref, d1_ref, tid_ref, x_ref, x16_ref,
                awt_ref, ab_ref, skip_ref, out_ref):
    den = d0_ref[...] + d1_ref[...]
    invd = 1.0 / (den[:, :16] + 1e-16)
    icnt = 1.0 / jnp.maximum(den[:, 8:9], 1.0)
    factor = jnp.dot(invd, x16_ref[...],
                     preferred_element_type=_f32) * icnt
    x0 = (s0_ref[...] + s1_ref[...]) * factor
    tid = tid_ref[...]
    acc = jnp.zeros_like(x0)
    aval = jnp.zeros_like(icnt)
    for t in range(T):
        m = tid == t
        proj = jnp.dot(x0, awt_ref[:, t * C:(t + 1) * C],
                       preferred_element_type=_f32) + ab_ref[t:t + 1, :]
        acc = jnp.where(m, proj, acc)
        aval = jnp.where(m, skip_ref[0, t], aval)
    alpha = 1.0 / (1.0 + jnp.exp(-aval))
    out_ref[...] = acc * alpha + x_ref[...] * (1.0 - alpha)


def _run_final(sum0, sum1, den0, den1, tid2d, x, x16, awt, ab, skip2d):
    nb = 10
    blk = N // nb
    return pl.pallas_call(
        _final_body,
        grid=(nb,),
        in_specs=[
            pl.BlockSpec((blk, C), lambda i: (i, 0)),
            pl.BlockSpec((blk, C), lambda i: (i, 0)),
            pl.BlockSpec((blk, C), lambda i: (i, 0)),
            pl.BlockSpec((blk, C), lambda i: (i, 0)),
            pl.BlockSpec((blk, 1), lambda i: (i, 0)),
            pl.BlockSpec((blk, C), lambda i: (i, 0)),
            pl.BlockSpec((16, C), lambda i: (0, 0)),
            pl.BlockSpec((C, T * C), lambda i: (0, 0)),
            pl.BlockSpec((T, C), lambda i: (0, 0)),
            pl.BlockSpec((1, T), lambda i: (0, 0)),
        ],
        out_specs=pl.BlockSpec((blk, C), lambda i: (i, 0)),
        out_shape=jax.ShapeDtypeStruct((N, C), _f32),
    )(sum0, sum1, den0, den1, tid2d, x, x16, awt, ab, skip2d)


_MESH = plsc.VectorSubcoreMesh(core_axis_name="c", subcore_axis_name="s")


@functools.partial(
    pl.kernel,
    mesh=_MESH,
    out_type=(jax.ShapeDtypeStruct((EP, C), _f32),) * 3,
    scratch_types=[
        pltpu.VMEM((SUB, 128), _i32),
        pltpu.VMEM((SUB, 128), _i32),
        pltpu.VMEM((CB, C), _f32),
        pltpu.VMEM((CB, C), _f32),
        pltpu.VMEM((CB, C), _f32),
        pltpu.SemaphoreType.DMA,
    ],
)
def _sc_gather(kt_hbm, qt_hbm, vt_hbm, ik_hbm, iq_hbm,
               gk_hbm, gq_hbm, gv_hbm, ikv, iqv, bk, bq, bv, sem):
    wid = lax.axis_index("s") * 2 + lax.axis_index("c")
    row0 = wid * ROWS_PW

    def chunk(ci, carry):
        r0 = row0 + ci * SUB
        e0 = r0 * 128
        pltpu.sync_copy(ik_hbm.at[pl.ds(r0, SUB)], ikv)
        pltpu.sync_copy(iq_hbm.at[pl.ds(r0, SUB)], iqv)
        for j in range(SUB):
            pltpu.async_copy(kt_hbm.at[ikv.at[j]],
                             bk.at[pl.ds(j * 128, 128)], sem).wait()
            pltpu.async_copy(qt_hbm.at[iqv.at[j]],
                             bq.at[pl.ds(j * 128, 128)], sem).wait()
            pltpu.async_copy(vt_hbm.at[ikv.at[j]],
                             bv.at[pl.ds(j * 128, 128)], sem).wait()
        pltpu.sync_copy(bk, gk_hbm.at[pl.ds(e0, CB)])
        pltpu.sync_copy(bq, gq_hbm.at[pl.ds(e0, CB)])
        pltpu.sync_copy(bv, gv_hbm.at[pl.ds(e0, CB)])
        return carry

    lax.fori_loop(0, NCH, chunk, 0)


def _make_sc_scatter(width):
    @functools.partial(
        pl.kernel,
        mesh=_MESH,
        out_type=jax.ShapeDtypeStruct((2, NP, width), _f32),
        scratch_types=[
            pltpu.VMEM((SUB, 128), _i32),
            pltpu.VMEM((CB, width), _f32),
            pltpu.VMEM_SHARED((NP, width), _f32),
        ],
    )
    def _sc_scatter(val_hbm, dst_hbm, zero_hbm, acc_hbm, idxv, valv, sh):
        cidx = lax.axis_index("c")
        sidx = lax.axis_index("s")

        @pl.when(sidx == 0)
        def _init():
            pltpu.sync_copy(zero_hbm, sh)

        plsc.subcore_barrier()
        wid = sidx * 2 + cidx
        row0 = wid * ROWS_PW

        def chunk(ci, carry):
            r0 = row0 + ci * SUB
            e0 = r0 * 128
            pltpu.sync_copy(dst_hbm.at[pl.ds(r0, SUB)], idxv)
            pltpu.sync_copy(val_hbm.at[pl.ds(e0, CB)], valv)
            for j in range(SUB):
                pltpu.sync_copy(valv.at[pl.ds(j * 128, 128)],
                                sh.at[idxv.at[j]], add=True)
            return carry

        lax.fori_loop(0, NCH, chunk, 0)
        plsc.subcore_barrier()

        @pl.when(sidx == 0)
        def _writeout():
            pltpu.sync_copy(sh, acc_hbm.at[cidx])

    return _sc_scatter


_sc_scatter128 = _make_sc_scatter(C)


def kernel(x, type_id, edge_index, edge_attr, k_w, k_b, q_w, q_b, v_w, v_b,
           a_w, a_b, relation_pri, relation_att, relation_msg, skip):
    x = x.astype(_f32)

    scale = (relation_pri / SQRT_DK).astype(_f32)
    A = relation_att.astype(_f32) * scale[:, :, None, None]
    M = relation_msg.astype(_f32)
    kw4 = k_w.astype(_f32).reshape(R, H, DK, C)
    vw4 = v_w.astype(_f32).reshape(R, H, DK, C)
    Wkt = jnp.einsum('rhdi,rhdj->rihj', kw4, A).reshape(R, C, C)
    bkt = jnp.einsum('rhd,rhdj->rhj', k_b.astype(_f32).reshape(R, H, DK),
                     A).reshape(R, C)
    Wvt = jnp.einsum('rhdi,rhdj->rihj', vw4, M).reshape(R, C, C)
    bvt = jnp.einsum('rhd,rhdj->rhj', v_b.astype(_f32).reshape(R, H, DK),
                     M).reshape(R, C)
    Wq = jnp.transpose(q_w.astype(_f32), (0, 2, 1))
    bq = q_b.astype(_f32)

    wbig = jnp.concatenate([
        jnp.transpose(Wkt, (1, 0, 2)).reshape(C, R * C),
        jnp.transpose(Wq, (1, 0, 2)).reshape(C, R * C),
        jnp.transpose(Wvt, (1, 0, 2)).reshape(C, R * C),
    ], axis=1)
    bbig = jnp.concatenate([bkt.reshape(-1), bq.reshape(-1),
                            bvt.reshape(-1)]).reshape(1, 3 * 512)

    src = edge_index[0].astype(_i32)
    dst = edge_index[1].astype(_i32)
    attr = edge_attr.astype(_i32)
    pad = EP - E
    ik = jnp.pad(src * R + attr, (0, pad)).reshape(EP // 128, 128)
    iq = jnp.pad(dst * R + attr, (0, pad)).reshape(EP // 128, 128)
    dstp = jnp.pad(dst, (0, pad), constant_values=N).reshape(EP // 128, 128)

    s16 = (jnp.arange(C)[:, None] // DK == jnp.arange(C)[None, :]
           ).astype(_f32)
    x16 = (jnp.arange(16)[:, None] == jnp.arange(C)[None, :] // DK
           ).astype(_f32)
    zero128 = jnp.zeros((NP, C), _f32)

    kt_n, q_n, vt_n = _run_proj(x, wbig, bbig)
    kt_t = kt_n.reshape(NR, C)
    q_t = q_n.reshape(NR, C)
    vt_t = vt_n.reshape(NR, C)

    gk, gq, gv = _sc_gather(kt_t, q_t, vt_t, ik, iq)

    ex16, weighted = _run_edge(gk, gq, gv, s16, x16)

    den = _sc_scatter128(ex16, dstp, zero128)
    summ = _sc_scatter128(weighted, dstp, zero128)
    den0, den1 = den[0], den[1]
    sum0, sum1 = summ[0], summ[1]

    awt = jnp.transpose(a_w.astype(_f32), (2, 0, 1)).reshape(C, T * C)
    ab = a_b.astype(_f32)
    skip2d = skip.astype(_f32).reshape(1, T)
    tid2d = type_id.astype(_i32).reshape(N, 1)
    out = _run_final(sum0, sum1, den0, den1, tid2d, x, x16, awt, ab, skip2d)
    return out

# --- scband reference (transcript-rebuilt; emitter-appended) ---
"""Pipeline reference for scband-edges-conv-layer-75144747811216 (READ-ONLY COPY).

The authoritative reference and input builder live on the scoring server;
editing this copy changes nothing except your own understanding.
"""

import jax, jax.numpy as jnp
import numpy as np
import math

N = 10000
E = 320000
IN_CH = 128
OUT_CH = 128
H = 8
DK = OUT_CH // H
T = 4
R = 4
SQRT_DK = math.sqrt(DK)


def setup_inputs(seed: int = 0):
    key = jax.random.key(seed)
    ks = jax.random.split(key, 12)
    s = 0.02
    return {
        "x": jax.random.normal(ks[0], (N, IN_CH), dtype=jnp.float32),
        "type_id": jax.random.randint(ks[1], (N,), 0, T),
        "edge_index": jax.random.randint(ks[2], (2, E), 0, N),
        "edge_attr": jax.random.randint(ks[3], (E,), 0, R),
        "k_w": jax.random.normal(ks[4], (T, OUT_CH, IN_CH), dtype=jnp.float32) * s,
        "k_b": jnp.zeros((T, OUT_CH), dtype=jnp.float32),
        "q_w": jax.random.normal(ks[5], (T, OUT_CH, IN_CH), dtype=jnp.float32) * s,
        "q_b": jnp.zeros((T, OUT_CH), dtype=jnp.float32),
        "v_w": jax.random.normal(ks[6], (T, OUT_CH, IN_CH), dtype=jnp.float32) * s,
        "v_b": jnp.zeros((T, OUT_CH), dtype=jnp.float32),
        "a_w": jax.random.normal(ks[7], (T, OUT_CH, OUT_CH), dtype=jnp.float32) * s,
        "a_b": jnp.zeros((T, OUT_CH), dtype=jnp.float32),
        "relation_pri": jnp.ones((R, H), dtype=jnp.float32),
        "relation_att": jax.random.normal(ks[8], (R, H, DK, DK), dtype=jnp.float32) * s,
        "relation_msg": jax.random.normal(ks[9], (R, H, DK, DK), dtype=jnp.float32) * s,
        "skip": jnp.ones((T,), dtype=jnp.float32),
    }


def _forward(x, type_id, edge_index, edge_attr, k_w, k_b, q_w, q_b, v_w, v_b, a_w, a_b, relation_pri, relation_att, relation_msg, skip):
    src = edge_index[0]
    dst = edge_index[1]
    feat_src = jnp.take(x, src, axis=0)
    feat_dst = jnp.take(x, dst, axis=0)
    r_att = jnp.take(relation_att, edge_attr, axis=0)
    r_pri = jnp.take(relation_pri, edge_attr, axis=0)
    r_msg = jnp.take(relation_msg, edge_attr, axis=0)
    k_src = jnp.zeros((E, OUT_CH), dtype=x.dtype)
    q_dst = jnp.zeros((E, OUT_CH), dtype=x.dtype)
    v_src = jnp.zeros((E, OUT_CH), dtype=x.dtype)
    for t in range(T):
        m = (edge_attr == t)[:, None]
        k_src = jnp.where(m, feat_src @ k_w[t].T + k_b[t], k_src)
        q_dst = jnp.where(m, feat_dst @ q_w[t].T + q_b[t], q_dst)
        v_src = jnp.where(m, feat_src @ v_w[t].T + v_b[t], v_src)
    k_src = k_src.reshape(E, H, DK)
    q_dst = q_dst.reshape(E, H, DK)
    v_src = v_src.reshape(E, H, DK)
    k_trans = jnp.einsum('ehd,ehdk->ehk', k_src, r_att)
    att = (q_dst * k_trans).sum(axis=-1) * r_pri / SQRT_DK
    mx = jax.lax.stop_gradient(jax.ops.segment_max(att, dst, num_segments=N))
    mx = jnp.where(jnp.isfinite(mx), mx, 0.0)
    ex = jnp.exp(att - mx[dst])
    den = jax.ops.segment_sum(ex, dst, num_segments=N)
    att_sm = ex / (den[dst] + 1e-16)
    v_trans = jnp.einsum('ehd,ehdk->ehk', v_src, r_msg)
    weighted = (att_sm[..., None] * v_trans).reshape(E, OUT_CH)
    summed = jax.ops.segment_sum(weighted, dst, num_segments=N)
    cnt = jax.ops.segment_sum(jnp.ones((E,), dtype=x.dtype), dst, num_segments=N)
    x0 = summed / jnp.maximum(cnt, 1.0)[:, None]
    x0a = jnp.zeros_like(x0)
    for t in range(T):
        m = (type_id == t)[:, None]
        x0a = jnp.where(m, x0 @ a_w[t].T + a_b[t], x0a)
    alpha = jax.nn.sigmoid(skip[type_id])[:, None]
    return x0a * alpha + x * (1.0 - alpha)


def reference(x, type_id, edge_index, edge_attr, k_w, k_b, q_w, q_b, v_w, v_b, a_w, a_b, relation_pri, relation_att, relation_msg, skip):
    return _forward(x, type_id, edge_index, edge_attr, k_w, k_b, q_w, q_b, v_w, v_b, a_w, a_b, relation_pri, relation_att, relation_msg, skip)

if __name__ == "__main__":
    import jax
    _d = setup_inputs()
    print(jax.jit(kernel)(*tuple(_d.values())))

</pallas_src>

<mosaic_0001>
#map = affine_map<(d0, d1) -> (0, 0)>
#map1 = affine_map<(d0, d1) -> (0, 0, 0)>
module attributes {stable_mosaic.version = 14 : i64} {
  func.func @_sc_scatter(%arg0: i32, %arg1: i32, %arg2: memref<327680x128xf32, #tpu.memory_space<hbm>>, %arg3: memref<2560x128xi32, #tpu.memory_space<hbm>>, %arg4: memref<10048x128xf32, #tpu.memory_space<hbm>>, %arg5: memref<2x10048x128xf32, #tpu.memory_space<hbm>>, %arg6: memref<2x128xi32, #tpu.memory_space<vmem>>, %arg7: memref<256x128xf32, #tpu.memory_space<vmem>>, %arg8: memref<10048x128xf32, #tpu.memory_space<vmem_shared>>) attributes {dimension_semantics = [#tpu.dimension_semantics<core_parallel>, #tpu.dimension_semantics<subcore_parallel>], iteration_bounds = array<i64: 2, 16>, scalar_prefetch = 0 : i64, scratch_operands = 3 : i64, tpu.core_type = #tpu.core_type<sc_vector_subcore>, window_params = [{transform_indices = #map}, {transform_indices = #map}, {transform_indices = #map}, {transform_indices = #map1}]} {
    %eq3A = arith.constant 0 : i32
    %eq3A_0 = arith.cmpi eq, %arg1, %eq3A : i32
    %convert_element_type3A = arith.extui %eq3A_0 : i1 to i32
    %cond3A = arith.constant 0 : i32
    %cond3A_1 = arith.cmpi ne, %convert_element_type3A, %cond3A : i32
    scf.if %cond3A_1 {
      "tpu.region"() ({
        %run_scoped3A = tpu.sem_alloc : memref<!tpu.dma_semaphore, #tpu.memory_space<semaphore_mem>>
        tpu.enqueue_dma source(%arg4 : memref<10048x128xf32, #tpu.memory_space<hbm>>) target(%arg8 : memref<10048x128xf32, #tpu.memory_space<vmem_shared>>) target_semaphore(%run_scoped3A : memref<!tpu.dma_semaphore, #tpu.memory_space<semaphore_mem>>)
        tpu.wait_dma2 semaphore(%run_scoped3A : memref<!tpu.dma_semaphore, #tpu.memory_space<semaphore_mem>>) src(%arg4 : memref<10048x128xf32, #tpu.memory_space<hbm>>) dst(%arg8 : memref<10048x128xf32, #tpu.memory_space<vmem_shared>>)
        tpu.yield
      }) : () -> ()
    } else {
    }
    %barrier3A = arith.constant 0 : index
    tpu.barrier barrier_id(%barrier3A)
    %mul3A = arith.constant 2 : i32
    %mul3A_2 = arith.muli %arg1, %mul3A : i32
    %add3A = arith.addi %mul3A_2, %arg0 : i32
    %mul3A_3 = arith.constant 80 : i32
    %mul3A_4 = arith.muli %add3A, %mul3A_3 : i32
    %scan3A = arith.constant 0 : i32
    %scan3A_5 = arith.constant 0 : i32
    %scan3A_6 = arith.constant 40 : i32
    %scan3A_7 = arith.addi %scan3A_5, %scan3A_6 : i32
    %scan3A_8 = arith.constant 1 : i32
    scf.for %scan3A_16 = %scan3A_5 to %scan3A_7 step %scan3A_8  : i32 {
      %mul3A_17 = arith.constant 2 : i32
      %mul3A_18 = arith.muli %scan3A_16, %mul3A_17 : i32
      %add3A_19 = arith.addi %mul3A_4, %mul3A_18 : i32
      %mul3A_20 = arith.constant 128 : i32
      %mul3A_21 = arith.muli %add3A_19, %mul3A_20 : i32
      "tpu.region"() ({
        %run_scoped3A_23 = tpu.sem_alloc : memref<!tpu.dma_semaphore, #tpu.memory_space<semaphore_mem>>
        %dma_start3A = arith.constant 0 : i32
        %dma_start3A_24 = tpu.memref_slice %arg3[%add3A_19, %dma_start3A] : memref<2560x128xi32, #tpu.memory_space<hbm>> -> memref<2x128xi32, #tpu.memory_space<hbm>>
        %dma_start3A_25 = arith.constant 0 : i32
        %dma_start3A_26 = tpu.memref_slice %arg3[%add3A_19, %dma_start3A_25] : memref<2560x128xi32, #tpu.memory_space<hbm>> -> memref<2x128xi32, #tpu.memory_space<hbm>>
        tpu.enqueue_dma source(%dma_start3A_26 : memref<2x128xi32, #tpu.memory_space<hbm>>) target(%arg6 : memref<2x128xi32, #tpu.memory_space<vmem>>) target_semaphore(%run_scoped3A_23 : memref<!tpu.dma_semaphore, #tpu.memory_space<semaphore_mem>>)
        %dma_wait3A = arith.constant 0 : i32
        %dma_wait3A_27 = tpu.memref_slice %arg3[%add3A_19, %dma_wait3A] : memref<2560x128xi32, #tpu.memory_space<hbm>> -> memref<2x128xi32, #tpu.memory_space<hbm>>
        %dma_wait3A_28 = arith.constant 0 : i32
        %dma_wait3A_29 = tpu.memref_slice %arg3[%add3A_19, %dma_wait3A_28] : memref<2560x128xi32, #tpu.memory_space<hbm>> -> memref<2x128xi32, #tpu.memory_space<hbm>>
        tpu.wait_dma2 semaphore(%run_scoped3A_23 : memref<!tpu.dma_semaphore, #tpu.memory_space<semaphore_mem>>) src(%dma_wait3A_29 : memref<2x128xi32, #tpu.memory_space<hbm>>) dst(%arg6 : memref<2x128xi32, #tpu.memory_space<vmem>>)
        tpu.yield
      }) : () -> ()
      "tpu.region"() ({
        %run_scoped3A_23 = tpu.sem_alloc : memref<!tpu.dma_semaphore, #tpu.memory_space<semaphore_mem>>
        %dma_start3A = arith.constant 0 : i32
        %dma_start3A_24 = tpu.memref_slice %arg2[%mul3A_21, %dma_start3A] : memref<327680x128xf32, #tpu.memory_space<hbm>> -> memref<256x128xf32, #tpu.memory_space<hbm>>
        %dma_start3A_25 = arith.constant 0 : i32
        %dma_start3A_26 = tpu.memref_slice %arg2[%mul3A_21, %dma_start3A_25] : memref<327680x128xf32, #tpu.memory_space<hbm>> -> memref<256x128xf32, #tpu.memory_space<hbm>>
        tpu.enqueue_dma source(%dma_start3A_26 : memref<256x128xf32, #tpu.memory_space<hbm>>) target(%arg7 : memref<256x128xf32, #tpu.memory_space<vmem>>) target_semaphore(%run_scoped3A_23 : memref<!tpu.dma_semaphore, #tpu.memory_space<semaphore_mem>>)
        %dma_wait3A = arith.constant 0 : i32
        %dma_wait3A_27 = tpu.memref_slice %arg2[%mul3A_21, %dma_wait3A] : memref<327680x128xf32, #tpu.memory_space<hbm>> -> memref<256x128xf32, #tpu.memory_space<hbm>>
        %dma_wait3A_28 = arith.constant 0 : i32
        %dma_wait3A_29 = tpu.memref_slice %arg2[%mul3A_21, %dma_wait3A_28] : memref<327680x128xf32, #tpu.memory_space<hbm>> -> memref<256x128xf32, #tpu.memory_space<hbm>>
        tpu.wait_dma2 semaphore(%run_scoped3A_23 : memref<!tpu.dma_semaphore, #tpu.memory_space<semaphore_mem>>) src(%dma_wait3A_29 : memref<256x128xf32, #tpu.memory_space<hbm>>) dst(%arg7 : memref<256x128xf32, #tpu.memory_space<vmem>>)
        tpu.yield
      }) : () -> ()
      %run_scoped3A = arith.constant 0 : i32
      "tpu.region"() ({
        %run_scoped3A_23 = tpu.sem_alloc : memref<!tpu.dma_semaphore, #tpu.memory_space<semaphore_mem>>
        %dma_start3A = arith.constant 0 : i32
        %dma_start3A_24 = arith.constant 0 : i32
        %dma_start3A_25 = tpu.memref_slice %arg7[%dma_start3A, %dma_start3A_24] : memref<256x128xf32, #tpu.memory_space<vmem>> -> memref<128x128xf32, #tpu.memory_space<vmem>>
        %dma_start3A_26 = arith.constant 0 : i32
        %dma_start3A_27 = tpu.memref_slice %arg6[%run_scoped3A, %dma_start3A_26] : memref<2x128xi32, #tpu.memory_space<vmem>> -> memref<1x128xi32, #tpu.memory_space<vmem>>
        %dma_start3A_28 = tpu.memref_squeeze %dma_start3A_27 : memref<1x128xi32, #tpu.memory_space<vmem>> -> memref<128xi32, #tpu.memory_space<vmem>>
        %dma_start3A_29 = arith.constant 0 : i32
        %dma_start3A_30 = arith.constant 0 : i32
        %dma_start3A_31 = tpu.memref_slice %arg8[%dma_start3A_29, %dma_start3A_30] : memref<10048x128xf32, #tpu.memory_space<vmem_shared>> -> memref<10048x128xf32, #tpu.memory_space<vmem_shared>>
        tpu.enqueue_indirect_dma source(%dma_start3A_25 : memref<128x128xf32, #tpu.memory_space<vmem>>) target(%dma_start3A_31 : memref<10048x128xf32, #tpu.memory_space<vmem_shared>>) offsets(%dma_start3A_28 : memref<128xi32, #tpu.memory_space<vmem>>) semaphore(%run_scoped3A_23 : memref<!tpu.dma_semaphore, #tpu.memory_space<semaphore_mem>>) {add = true}
        %dma_wait3A = arith.constant 0 : i32
        %dma_wait3A_32 = arith.constant 0 : i32
        %dma_wait3A_33 = tpu.memref_slice %arg7[%dma_wait3A, %dma_wait3A_32] : memref<256x128xf32, #tpu.memory_space<vmem>> -> memref<128x128xf32, #tpu.memory_space<vmem>>
        %dma_wait3A_34 = arith.constant 0 : i32
        %dma_wait3A_35 = tpu.memref_slice %arg6[%run_scoped3A, %dma_wait3A_34] : memref<2x128xi32, #tpu.memory_space<vmem>> -> memref<1x128xi32, #tpu.memory_space<vmem>>
        %dma_wait3A_36 = tpu.memref_squeeze %dma_wait3A_35 : memref<1x128xi32, #tpu.memory_space<vmem>> -> memref<128xi32, #tpu.memory_space<vmem>>
        %dma_wait3A_37 = arith.constant 0 : i32
        %dma_wait3A_38 = arith.constant 0 : i32
        %dma_wait3A_39 = tpu.memref_slice %arg8[%dma_wait3A_37, %dma_wait3A_38] : memref<10048x128xf32, #tpu.memory_space<vmem_shared>> -> memref<10048x128xf32, #tpu.memory_space<vmem_shared>>
        tpu.wait_indirect_dma semaphore(%run_scoped3A_23 : memref<!tpu.dma_semaphore, #tpu.memory_space<semaphore_mem>>) src(%dma_wait3A_33 : memref<128x128xf32, #tpu.memory_space<vmem>>) dst(%dma_wait3A_39 : memref<10048x128xf32, #tpu.memory_space<vmem_shared>>)
        tpu.yield
      }) : () -> ()
      %run_scoped3A_22 = arith.constant 1 : i32
      "tpu.region"() ({
        %run_scoped3A_23 = tpu.sem_alloc : memref<!tpu.dma_semaphore, #tpu.memory_space<semaphore_mem>>
        %dma_start3A = arith.constant 128 : i32
        %dma_start3A_24 = arith.constant 0 : i32
        %dma_start3A_25 = tpu.memref_slice %arg7[%dma_start3A, %dma_start3A_24] : memref<256x128xf32, #tpu.memory_space<vmem>> -> memref<128x128xf32, #tpu.memory_space<vmem>>
        %dma_start3A_26 = arith.constant 0 : i32
        %dma_start3A_27 = tpu.memref_slice %arg6[%run_scoped3A_22, %dma_start3A_26] : memref<2x128xi32, #tpu.memory_space<vmem>> -> memref<1x128xi32, #tpu.memory_space<vmem>>
        %dma_start3A_28 = tpu.memref_squeeze %dma_start3A_27 : memref<1x128xi32, #tpu.memory_space<vmem>> -> memref<128xi32, #tpu.memory_space<vmem>>
        %dma_start3A_29 = arith.constant 0 : i32
        %dma_start3A_30 = arith.constant 0 : i32
        %dma_start3A_31 = tpu.memref_slice %arg8[%dma_start3A_29, %dma_start3A_30] : memref<10048x128xf32, #tpu.memory_space<vmem_shared>> -> memref<10048x128xf32, #tpu.memory_space<vmem_shared>>
        tpu.enqueue_indirect_dma source(%dma_start3A_25 : memref<128x128xf32, #tpu.memory_space<vmem>>) target(%dma_start3A_31 : memref<10048x128xf32, #tpu.memory_space<vmem_shared>>) offsets(%dma_start3A_28 : memref<128xi32, #tpu.memory_space<vmem>>) semaphore(%run_scoped3A_23 : memref<!tpu.dma_semaphore, #tpu.memory_space<semaphore_mem>>) {add = true}
        %dma_wait3A = arith.constant 128 : i32
        %dma_wait3A_32 = arith.constant 0 : i32
        %dma_wait3A_33 = tpu.memref_slice %arg7[%dma_wait3A, %dma_wait3A_32] : memref<256x128xf32, #tpu.memory_space<vmem>> -> memref<128x128xf32, #tpu.memory_space<vmem>>
        %dma_wait3A_34 = arith.constant 0 : i32
        %dma_wait3A_35 = tpu.memref_slice %arg6[%run_scoped3A_22, %dma_wait3A_34] : memref<2x128xi32, #tpu.memory_space<vmem>> -> memref<1x128xi32, #tpu.memory_space<vmem>>
        %dma_wait3A_36 = tpu.memref_squeeze %dma_wait3A_35 : memref<1x128xi32, #tpu.memory_space<vmem>> -> memref<128xi32, #tpu.memory_space<vmem>>
        %dma_wait3A_37 = arith.constant 0 : i32
        %dma_wait3A_38 = arith.constant 0 : i32
        %dma_wait3A_39 = tpu.memref_slice %arg8[%dma_wait3A_37, %dma_wait3A_38] : memref<10048x128xf32, #tpu.memory_space<vmem_shared>> -> memref<10048x128xf32, #tpu.memory_space<vmem_shared>>
        tpu.wait_indirect_dma semaphore(%run_scoped3A_23 : memref<!tpu.dma_semaphore, #tpu.memory_space<semaphore_mem>>) src(%dma_wait3A_33 : memref<128x128xf32, #tpu.memory_space<vmem>>) dst(%dma_wait3A_39 : memref<10048x128xf32, #tpu.memory_space<vmem_shared>>)
        tpu.yield
      }) : () -> ()
    }
    %scan3A_9 = arith.constant 40 : i32
    %barrier3A_10 = arith.constant 0 : index
    tpu.barrier barrier_id(%barrier3A_10)
    %eq3A_11 = arith.constant 0 : i32
    %eq3A_12 = arith.cmpi eq, %arg1, %eq3A_11 : i32
    %convert_element_type3A_13 = arith.extui %eq3A_12 : i1 to i32
    %cond3A_14 = arith.constant 0 : i32
    %cond3A_15 = arith.cmpi ne, %convert_element_type3A_13, %cond3A_14 : i32
    scf.if %cond3A_15 {
      "tpu.region"() ({
        %run_scoped3A = tpu.sem_alloc : memref<!tpu.dma_semaphore, #tpu.memory_space<semaphore_mem>>
        %dma_start3A = arith.constant 0 : i32
        %dma_start3A_16 = arith.constant 0 : i32
        %dma_start3A_17 = tpu.memref_slice %arg5[%arg0, %dma_start3A, %dma_start3A_16] : memref<2x10048x128xf32, #tpu.memory_space<hbm>> -> memref<1x10048x128xf32, #tpu.memory_space<hbm>>
        %dma_start3A_18 = tpu.memref_squeeze %dma_start3A_17 : memref<1x10048x128xf32, #tpu.memory_space<hbm>> -> memref<10048x128xf32, #tpu.memory_space<hbm>>
        tpu.enqueue_dma source(%arg8 : memref<10048x128xf32, #tpu.memory_space<vmem_shared>>) target(%dma_start3A_18 : memref<10048x128xf32, #tpu.memory_space<hbm>>) target_semaphore(%run_scoped3A : memref<!tpu.dma_semaphore, #tpu.memory_space<semaphore_mem>>)
        %dma_wait3A = arith.constant 0 : i32
        %dma_wait3A_19 = arith.constant 0 : i32
        %dma_wait3A_20 = tpu.memref_slice %arg5[%arg0, %dma_wait3A, %dma_wait3A_19] : memref<2x10048x128xf32, #tpu.memory_space<hbm>> -> memref<1x10048x128xf32, #tpu.memory_space<hbm>>
        %dma_wait3A_21 = tpu.memref_squeeze %dma_wait3A_20 : memref<1x10048x128xf32, #tpu.memory_space<hbm>> -> memref<10048x128xf32, #tpu.memory_space<hbm>>
        tpu.wait_dma2 semaphore(%run_scoped3A : memref<!tpu.dma_semaphore, #tpu.memory_space<semaphore_mem>>) src(%arg8 : memref<10048x128xf32, #tpu.memory_space<vmem_shared>>) dst(%dma_wait3A_21 : memref<10048x128xf32, #tpu.memory_space<hbm>>)
        tpu.yield
      }) : () -> ()
    } else {
    }
    return
  }
}

#map = affine_map<(d0, d1) -> (0, 0)>
module attributes {stable_mosaic.version = 14 : i64} {
  func.func @_sc_gather(%arg0: i32, %arg1: i32, %arg2: memref<40000x128xf32, #tpu.memory_space<hbm>>, %arg3: memref<40000x128xf32, #tpu.memory_space<hbm>>, %arg4: memref<40000x128xf32, #tpu.memory_space<hbm>>, %arg5: memref<2560x128xi32, #tpu.memory_space<hbm>>, %arg6: memref<2560x128xi32, #tpu.memory_space<hbm>>, %arg7: memref<327680x128xf32, #tpu.memory_space<hbm>>, %arg8: memref<327680x128xf32, #tpu.memory_space<hbm>>, %arg9: memref<327680x128xf32, #tpu.memory_space<hbm>>, %arg10: memref<2x128xi32, #tpu.memory_space<vmem>>, %arg11: memref<2x128xi32, #tpu.memory_space<vmem>>, %arg12: memref<256x128xf32, #tpu.memory_space<vmem>>, %arg13: memref<256x128xf32, #tpu.memory_space<vmem>>, %arg14: memref<256x128xf32, #tpu.memory_space<vmem>>, %arg15: memref<!tpu.dma_semaphore, #tpu.memory_space<semaphore_mem>>) attributes {dimension_semantics = [#tpu.dimension_semantics<core_parallel>, #tpu.dimension_semantics<subcore_parallel>], iteration_bounds = array<i64: 2, 16>, scalar_prefetch = 0 : i64, scratch_operands = 6 : i64, tpu.core_type = #tpu.core_type<sc_vector_subcore>, window_params = [{transform_indices = #map}, {transform_indices = #map}, {transform_indices = #map}, {transform_indices = #map}, {transform_indices = #map}, {transform_indices = #map}, {transform_indices = #map}, {transform_indices = #map}]} {
    %mul3A = arith.constant 2 : i32
    %mul3A_0 = arith.muli %arg1, %mul3A : i32
    %add3A = arith.addi %mul3A_0, %arg0 : i32
    %mul3A_1 = arith.constant 80 : i32
    %mul3A_2 = arith.muli %add3A, %mul3A_1 : i32
    %scan3A = arith.constant 0 : i32
    %scan3A_3 = arith.constant 0 : i32
    %scan3A_4 = arith.constant 40 : i32
    %scan3A_5 = arith.addi %scan3A_3, %scan3A_4 : i32
    %scan3A_6 = arith.constant 1 : i32
    scf.for %scan3A_8 = %scan3A_3 to %scan3A_5 step %scan3A_6  : i32 {
      %mul3A_9 = arith.constant 2 : i32
      %mul3A_10 = arith.muli %scan3A_8, %mul3A_9 : i32
      %add3A_11 = arith.addi %mul3A_2, %mul3A_10 : i32
      %mul3A_12 = arith.constant 128 : i32
      %mul3A_13 = arith.muli %add3A_11, %mul3A_12 : i32
      "tpu.region"() ({
        %run_scoped3A = tpu.sem_alloc : memref<!tpu.dma_semaphore, #tpu.memory_space<semaphore_mem>>
        %dma_start3A_132 = arith.constant 0 : i32
        %dma_start3A_133 = tpu.memref_slice %arg5[%add3A_11, %dma_start3A_132] : memref<2560x128xi32, #tpu.memory_space<hbm>> -> memref<2x128xi32, #tpu.memory_space<hbm>>
        %dma_start3A_134 = arith.constant 0 : i32
        %dma_start3A_135 = tpu.memref_slice %arg5[%add3A_11, %dma_start3A_134] : memref<2560x128xi32, #tpu.memory_space<hbm>> -> memref<2x128xi32, #tpu.memory_space<hbm>>
        tpu.enqueue_dma source(%dma_start3A_135 : memref<2x128xi32, #tpu.memory_space<hbm>>) target(%arg10 : memref<2x128xi32, #tpu.memory_space<vmem>>) target_semaphore(%run_scoped3A : memref<!tpu.dma_semaphore, #tpu.memory_space<semaphore_mem>>)
        %dma_wait3A_136 = arith.constant 0 : i32
        %dma_wait3A_137 = tpu.memref_slice %arg5[%add3A_11, %dma_wait3A_136] : memref<2560x128xi32, #tpu.memory_space<hbm>> -> memref<2x128xi32, #tpu.memory_space<hbm>>
        %dma_wait3A_138 = arith.constant 0 : i32
        %dma_wait3A_139 = tpu.memref_slice %arg5[%add3A_11, %dma_wait3A_138] : memref<2560x128xi32, #tpu.memory_space<hbm>> -> memref<2x128xi32, #tpu.memory_space<hbm>>
        tpu.wait_dma2 semaphore(%run_scoped3A : memref<!tpu.dma_semaphore, #tpu.memory_space<semaphore_mem>>) src(%dma_wait3A_139 : memref<2x128xi32, #tpu.memory_space<hbm>>) dst(%arg10 : memref<2x128xi32, #tpu.memory_space<vmem>>)
        tpu.yield
      }) : () -> ()
      "tpu.region"() ({
        %run_scoped3A = tpu.sem_alloc : memref<!tpu.dma_semaphore, #tpu.memory_space<semaphore_mem>>
        %dma_start3A_132 = arith.constant 0 : i32
        %dma_start3A_133 = tpu.memref_slice %arg6[%add3A_11, %dma_start3A_132] : memref<2560x128xi32, #tpu.memory_space<hbm>> -> memref<2x128xi32, #tpu.memory_space<hbm>>
        %dma_start3A_134 = arith.constant 0 : i32
        %dma_start3A_135 = tpu.memref_slice %arg6[%add3A_11, %dma_start3A_134] : memref<2560x128xi32, #tpu.memory_space<hbm>> -> memref<2x128xi32, #tpu.memory_space<hbm>>
        tpu.enqueue_dma source(%dma_start3A_135 : memref<2x128xi32, #tpu.memory_space<hbm>>) target(%arg11 : memref<2x128xi32, #tpu.memory_space<vmem>>) target_semaphore(%run_scoped3A : memref<!tpu.dma_semaphore, #tpu.memory_space<semaphore_mem>>)
        %dma_wait3A_136 = arith.constant 0 : i32
        %dma_wait3A_137 = tpu.memref_slice %arg6[%add3A_11, %dma_wait3A_136] : memref<2560x128xi32, #tpu.memory_space<hbm>> -> memref<2x128xi32, #tpu.memory_space<hbm>>
        %dma_wait3A_138 = arith.constant 0 : i32
        %dma_wait3A_139 = tpu.memref_slice %arg6[%add3A_11, %dma_wait3A_138] : memref<2560x128xi32, #tpu.memory_space<hbm>> -> memref<2x128xi32, #tpu.memory_space<hbm>>
        tpu.wait_dma2 semaphore(%run_scoped3A : memref<!tpu.dma_semaphore, #tpu.memory_space<semaphore_mem>>) src(%dma_wait3A_139 : memref<2x128xi32, #tpu.memory_space<hbm>>) dst(%arg11 : memref<2x128xi32, #tpu.memory_space<vmem>>)
        tpu.yield
      }) : () -> ()
      %dma_start3A = arith.constant 0 : i32
      %dma_start3A_14 = arith.constant 0 : i32
      %dma_start3A_15 = arith.constant 0 : i32
      %dma_start3A_16 = tpu.memref_slice %arg12[%dma_start3A_14, %dma_start3A_15] : memref<256x128xf32, #tpu.memory_space<vmem>> -> memref<128x128xf32, #tpu.memory_space<vmem>>
      %dma_start3A_17 = arith.constant 0 : i32
      %dma_start3A_18 = tpu.memref_slice %arg10[%dma_start3A, %dma_start3A_17] : memref<2x128xi32, #tpu.memory_space<vmem>> -> memref<1x128xi32, #tpu.memory_space<vmem>>
      %dma_start3A_19 = tpu.memref_squeeze %dma_start3A_18 : memref<1x128xi32, #tpu.memory_space<vmem>> -> memref<128xi32, #tpu.memory_space<vmem>>
      %dma_start3A_20 = arith.constant 0 : i32
      %dma_start3A_21 = arith.constant 0 : i32
      %dma_start3A_22 = tpu.memref_slice %arg2[%dma_start3A_20, %dma_start3A_21] : memref<40000x128xf32, #tpu.memory_space<hbm>> -> memref<40000x128xf32, #tpu.memory_space<hbm>>
      tpu.enqueue_indirect_dma source(%dma_start3A_22 : memref<40000x128xf32, #tpu.memory_space<hbm>>) target(%dma_start3A_16 : memref<128x128xf32, #tpu.memory_space<vmem>>) offsets(%dma_start3A_19 : memref<128xi32, #tpu.memory_space<vmem>>) semaphore(%arg15 : memref<!tpu.dma_semaphore, #tpu.memory_space<semaphore_mem>>)
      %dma_wait3A = arith.constant 0 : i32
      %dma_wait3A_23 = arith.constant 0 : i32
      %dma_wait3A_24 = arith.constant 0 : i32
      %dma_wait3A_25 = tpu.memref_slice %arg12[%dma_wait3A_23, %dma_wait3A_24] : memref<256x128xf32, #tpu.memory_space<vmem>> -> memref<128x128xf32, #tpu.memory_space<vmem>>
      %dma_wait3A_26 = arith.constant 0 : i32
      %dma_wait3A_27 = tpu.memref_slice %arg10[%dma_wait3A, %dma_wait3A_26] : memref<2x128xi32, #tpu.memory_space<vmem>> -> memref<1x128xi32, #tpu.memory_space<vmem>>
      %dma_wait3A_28 = tpu.memref_squeeze %dma_wait3A_27 : memref<1x128xi32, #tpu.memory_space<vmem>> -> memref<128xi32, #tpu.memory_space<vmem>>
      %dma_wait3A_29 = arith.constant 0 : i32
      %dma_wait3A_30 = arith.constant 0 : i32
      %dma_wait3A_31 = tpu.memref_slice %arg2[%dma_wait3A_29, %dma_wait3A_30] : memref<40000x128xf32, #tpu.memory_space<hbm>> -> memref<40000x128xf32, #tpu.memory_space<hbm>>
      tpu.wait_indirect_dma semaphore(%arg15 : memref<!tpu.dma_semaphore, #tpu.memory_space<semaphore_mem>>) src(%dma_wait3A_31 : memref<40000x128xf32, #tpu.memory_space<hbm>>) dst(%dma_wait3A_25 : memref<128x128xf32, #tpu.memory_space<vmem>>)
      %dma_start3A_32 = arith.constant 0 : i32
      %dma_start3A_33 = arith.constant 0 : i32
      %dma_start3A_34 = arith.constant 0 : i32
      %dma_start3A_35 = tpu.memref_slice %arg13[%dma_start3A_33, %dma_start3A_34] : memref<256x128xf32, #tpu.memory_space<vmem>> -> memref<128x128xf32, #tpu.memory_space<vmem>>
      %dma_start3A_36 = arith.constant 0 : i32
      %dma_start3A_37 = tpu.memref_slice %arg11[%dma_start3A_32, %dma_start3A_36] : memref<2x128xi32, #tpu.memory_space<vmem>> -> memref<1x128xi32, #tpu.memory_space<vmem>>
      %dma_start3A_38 = tpu.memref_squeeze %dma_start3A_37 : memref<1x128xi32, #tpu.memory_space<vmem>> -> memref<128xi32, #tpu.memory_space<vmem>>
      %dma_start3A_39 = arith.constant 0 : i32
      %dma_start3A_40 = arith.constant 0 : i32
      %dma_start3A_41 = tpu.memref_slice %arg3[%dma_start3A_39, %dma_start3A_40] : memref<40000x128xf32, #tpu.memory_space<hbm>> -> memref<40000x128xf32, #tpu.memory_space<hbm>>
      tpu.enqueue_indirect_dma source(%dma_start3A_41 : memref<40000x128xf32, #tpu.memory_space<hbm>>) target(%dma_start3A_35 : memref<128x128xf32, #tpu.memory_space<vmem>>) offsets(%dma_start3A_38 : memref<128xi32, #tpu.memory_space<vmem>>) semaphore(%arg15 : memref<!tpu.dma_semaphore, #tpu.memory_space<semaphore_mem>>)
      %dma_wait3A_42 = arith.constant 0 : i32
      %dma_wait3A_43 = arith.constant 0 : i32
      %dma_wait3A_44 = arith.constant 0 : i32
      %dma_wait3A_45 = tpu.memref_slice %arg13[%dma_wait3A_43, %dma_wait3A_44] : memref<256x128xf32, #tpu.memory_space<vmem>> -> memref<128x128xf32, #tpu.memory_space<vmem>>
      %dma_wait3A_46 = arith.constant 0 : i32
      %dma_wait3A_47 = tpu.memref_slice %arg11[%dma_wait3A_42, %dma_wait3A_46] : memref<2x128xi32, #tpu.memory_space<vmem>> -> memref<1x128xi32, #tpu.memory_space<vmem>>
      %dma_wait3A_48 = tpu.memref_squeeze %dma_wait3A_47 : memref<1x128xi32, #tpu.memory_space<vmem>> -> memref<128xi32, #tpu.memory_space<vmem>>
      %dma_wait3A_49 = arith.constant 0 : i32
      %dma_wait3A_50 = arith.constant 0 : i32
      %dma_wait3A_51 = tpu.memref_slice %arg3[%dma_wait3A_49, %dma_wait3A_50] : memref<40000x128xf32, #tpu.memory_space<hbm>> -> memref<40000x128xf32, #tpu.memory_space<hbm>>
      tpu.wait_indirect_dma semaphore(%arg15 : memref<!tpu.dma_semaphore, #tpu.memory_space<semaphore_mem>>) src(%dma_wait3A_51 : memref<40000x128xf32, #tpu.memory_space<hbm>>) dst(%dma_wait3A_45 : memref<128x128xf32, #tpu.memory_space<vmem>>)
      %dma_start3A_52 = arith.constant 0 : i32
      %dma_start3A_53 = arith.constant 0 : i32
      %dma_start3A_54 = arith.constant 0 : i32
      %dma_start3A_55 = tpu.memref_slice %arg14[%dma_start3A_53, %dma_start3A_54] : memref<256x128xf32, #tpu.memory_space<vmem>> -> memref<128x128xf32, #tpu.memory_space<vmem>>
      %dma_start3A_56 = arith.constant 0 : i32
      %dma_start3A_57 = tpu.memref_slice %arg10[%dma_start3A_52, %dma_start3A_56] : memref<2x128xi32, #tpu.memory_space<vmem>> -> memref<1x128xi32, #tpu.memory_space<vmem>>
      %dma_start3A_58 = tpu.memref_squeeze %dma_start3A_57 : memref<1x128xi32, #tpu.memory_space<vmem>> -> memref<128xi32, #tpu.memory_space<vmem>>
      %dma_start3A_59 = arith.constant 0 : i32
      %dma_start3A_60 = arith.constant 0 : i32
      %dma_start3A_61 = tpu.memref_slice %arg4[%dma_start3A_59, %dma_start3A_60] : memref<40000x128xf32, #tpu.memory_space<hbm>> -> memref<40000x128xf32, #tpu.memory_space<hbm>>
      tpu.enqueue_indirect_dma source(%dma_start3A_61 : memref<40000x128xf32, #tpu.memory_space<hbm>>) target(%dma_start3A_55 : memref<128x128xf32, #tpu.memory_space<vmem>>) offsets(%dma_start3A_58 : memref<128xi32, #tpu.memory_space<vmem>>) semaphore(%arg15 : memref<!tpu.dma_semaphore, #tpu.memory_space<semaphore_mem>>)
      %dma_wait3A_62 = arith.constant 0 : i32
      %dma_wait3A_63 = arith.constant 0 : i32
      %dma_wait3A_64 = arith.constant 0 : i32
      %dma_wait3A_65 = tpu.memref_slice %arg14[%dma_wait3A_63, %dma_wait3A_64] : memref<256x128xf32, #tpu.memory_space<vmem>> -> memref<128x128xf32, #tpu.memory_space<vmem>>
      %dma_wait3A_66 = arith.constant 0 : i32
      %dma_wait3A_67 = tpu.memref_slice %arg10[%dma_wait3A_62, %dma_wait3A_66] : memref<2x128xi32, #tpu.memory_space<vmem>> -> memref<1x128xi32, #tpu.memory_space<vmem>>
      %dma_wait3A_68 = tpu.memref_squeeze %dma_wait3A_67 : memref<1x128xi32, #tpu.memory_space<vmem>> -> memref<128xi32, #tpu.memory_space<vmem>>
      %dma_wait3A_69 = arith.constant 0 : i32
      %dma_wait3A_70 = arith.constant 0 : i32
      %dma_wait3A_71 = tpu.memref_slice %arg4[%dma_wait3A_69, %dma_wait3A_70] : memref<40000x128xf32, #tpu.memory_space<hbm>> -> memref<40000x128xf32, #tpu.memory_space<hbm>>
      tpu.wait_indirect_dma semaphore(%arg15 : memref<!tpu.dma_semaphore, #tpu.memory_space<semaphore_mem>>) src(%dma_wait3A_71 : memref<40000x128xf32, #tpu.memory_space<hbm>>) dst(%dma_wait3A_65 : memref<128x128xf32, #tpu.memory_space<vmem>>)
      %dma_start3A_72 = arith.constant 1 : i32
      %dma_start3A_73 = arith.constant 128 : i32
      %dma_start3A_74 = arith.constant 0 : i32
      %dma_start3A_75 = tpu.memref_slice %arg12[%dma_start3A_73, %dma_start3A_74] : memref<256x128xf32, #tpu.memory_space<vmem>> -> memref<128x128xf32, #tpu.memory_space<vmem>>
      %dma_start3A_76 = arith.constant 0 : i32
      %dma_start3A_77 = tpu.memref_slice %arg10[%dma_start3A_72, %dma_start3A_76] : memref<2x128xi32, #tpu.memory_space<vmem>> -> memref<1x128xi32, #tpu.memory_space<vmem>>
      %dma_start3A_78 = tpu.memref_squeeze %dma_start3A_77 : memref<1x128xi32, #tpu.memory_space<vmem>> -> memref<128xi32, #tpu.memory_space<vmem>>
      %dma_start3A_79 = arith.constant 0 : i32
      %dma_start3A_80 = arith.constant 0 : i32
      %dma_start3A_81 = tpu.memref_slice %arg2[%dma_start3A_79, %dma_start3A_80] : memref<40000x128xf32, #tpu.memory_space<hbm>> -> memref<40000x128xf32, #tpu.memory_space<hbm>>
      tpu.enqueue_indirect_dma source(%dma_start3A_81 : memref<40000x128xf32, #tpu.memory_space<hbm>>) target(%dma_start3A_75 : memref<128x128xf32, #tpu.memory_space<vmem>>) offsets(%dma_start3A_78 : memref<128xi32, #tpu.memory_space<vmem>>) semaphore(%arg15 : memref<!tpu.dma_semaphore, #tpu.memory_space<semaphore_mem>>)
      %dma_wait3A_82 = arith.constant 1 : i32
      %dma_wait3A_83 = arith.constant 128 : i32
      %dma_wait3A_84 = arith.constant 0 : i32
      %dma_wait3A_85 = tpu.memref_slice %arg12[%dma_wait3A_83, %dma_wait3A_84] : memref<256x128xf32, #tpu.memory_space<vmem>> -> memref<128x128xf32, #tpu.memory_space<vmem>>
      %dma_wait3A_86 = arith.constant 0 : i32
      %dma_wait3A_87 = tpu.memref_slice %arg10[%dma_wait3A_82, %dma_wait3A_86] : memref<2x128xi32, #tpu.memory_space<vmem>> -> memref<1x128xi32, #tpu.memory_space<vmem>>
      %dma_wait3A_88 = tpu.memref_squeeze %dma_wait3A_87 : memref<1x128xi32, #tpu.memory_space<vmem>> -> memref<128xi32, #tpu.memory_space<vmem>>
      %dma_wait3A_89 = arith.constant 0 : i32
      %dma_wait3A_90 = arith.constant 0 : i32
      %dma_wait3A_91 = tpu.memref_slice %arg2[%dma_wait3A_89, %dma_wait3A_90] : memref<40000x128xf32, #tpu.memory_space<hbm>> -> memref<40000x128xf32, #tpu.memory_space<hbm>>
      tpu.wait_indirect_dma semaphore(%arg15 : memref<!tpu.dma_semaphore, #tpu.memory_space<semaphore_mem>>) src(%dma_wait3A_91 : memref<40000x128xf32, #tpu.memory_space<hbm>>) dst(%dma_wait3A_85 : memref<128x128xf32, #tpu.memory_space<vmem>>)
      %dma_start3A_92 = arith.constant 1 : i32
      %dma_start3A_93 = arith.constant 128 : i32
      %dma_start3A_94 = arith.constant 0 : i32
      %dma_start3A_95 = tpu.memref_slice %arg13[%dma_start3A_93, %dma_start3A_94] : memref<256x128xf32, #tpu.memory_space<vmem>> -> memref<128x128xf32, #tpu.memory_space<vmem>>
      %dma_start3A_96 = arith.constant 0 : i32
      %dma_start3A_97 = tpu.memref_slice %arg11[%dma_start3A_92, %dma_start3A_96] : memref<2x128xi32, #tpu.memory_space<vmem>> -> memref<1x128xi32, #tpu.memory_space<vmem>>
      %dma_start3A_98 = tpu.memref_squeeze %dma_start3A_97 : memref<1x128xi32, #tpu.memory_space<vmem>> -> memref<128xi32, #tpu.memory_space<vmem>>
      %dma_start3A_99 = arith.constant 0 : i32
      %dma_start3A_100 = arith.constant 0 : i32
      %dma_start3A_101 = tpu.memref_slice %arg3[%dma_start3A_99, %dma_start3A_100] : memref<40000x128xf32, #tpu.memory_space<hbm>> -> memref<40000x128xf32, #tpu.memory_space<hbm>>
      tpu.enqueue_indirect_dma source(%dma_start3A_101 : memref<40000x128xf32, #tpu.memory_space<hbm>>) target(%dma_start3A_95 : memref<128x128xf32, #tpu.memory_space<vmem>>) offsets(%dma_start3A_98 : memref<128xi32, #tpu.memory_space<vmem>>) semaphore(%arg15 : memref<!tpu.dma_semaphore, #tpu.memory_space<semaphore_mem>>)
      %dma_wait3A_102 = arith.constant 1 : i32
      %dma_wait3A_103 = arith.constant 128 : i32
      %dma_wait3A_104 = arith.constant 0 : i32
      %dma_wait3A_105 = tpu.memref_slice %arg13[%dma_wait3A_103, %dma_wait3A_104] : memref<256x128xf32, #tpu.memory_space<vmem>> -> memref<128x128xf32, #tpu.memory_space<vmem>>
      %dma_wait3A_106 = arith.constant 0 : i32
      %dma_wait3A_107 = tpu.memref_slice %arg11[%dma_wait3A_102, %dma_wait3A_106] : memref<2x128xi32, #tpu.memory_space<vmem>> -> memref<1x128xi32, #tpu.memory_space<vmem>>
      %dma_wait3A_108 = tpu.memref_squeeze %dma_wait3A_107 : memref<1x128xi32, #tpu.memory_space<vmem>> -> memref<128xi32, #tpu.memory_space<vmem>>
      %dma_wait3A_109 = arith.constant 0 : i32
      %dma_wait3A_110 = arith.constant 0 : i32
      %dma_wait3A_111 = tpu.memref_slice %arg3[%dma_wait3A_109, %dma_wait3A_110] : memref<40000x128xf32, #tpu.memory_space<hbm>> -> memref<40000x128xf32, #tpu.memory_space<hbm>>
      tpu.wait_indirect_dma semaphore(%arg15 : memref<!tpu.dma_semaphore, #tpu.memory_space<semaphore_mem>>) src(%dma_wait3A_111 : memref<40000x128xf32, #tpu.memory_space<hbm>>) dst(%dma_wait3A_105 : memref<128x128xf32, #tpu.memory_space<vmem>>)
      %dma_start3A_112 = arith.constant 1 : i32
      %dma_start3A_113 = arith.constant 128 : i32
      %dma_start3A_114 = arith.constant 0 : i32
      %dma_start3A_115 = tpu.memref_slice %arg14[%dma_start3A_113, %dma_start3A_114] : memref<256x128xf32, #tpu.memory_space<vmem>> -> memref<128x128xf32, #tpu.memory_space<vmem>>
      %dma_start3A_116 = arith.constant 0 : i32
      %dma_start3A_117 = tpu.memref_slice %arg10[%dma_start3A_112, %dma_start3A_116] : memref<2x128xi32, #tpu.memory_space<vmem>> -> memref<1x128xi32, #tpu.memory_space<vmem>>
      %dma_start3A_118 = tpu.memref_squeeze %dma_start3A_117 : memref<1x128xi32, #tpu.memory_space<vmem>> -> memref<128xi32, #tpu.memory_space<vmem>>
      %dma_start3A_119 = arith.constant 0 : i32
      %dma_start3A_120 = arith.constant 0 : i32
      %dma_start3A_121 = tpu.memref_slice %arg4[%dma_start3A_119, %dma_start3A_120] : memref<40000x128xf32, #tpu.memory_space<hbm>> -> memref<40000x128xf32, #tpu.memory_space<hbm>>
      tpu.enqueue_indirect_dma source(%dma_start3A_121 : memref<40000x128xf32, #tpu.memory_space<hbm>>) target(%dma_start3A_115 : memref<128x128xf32, #tpu.memory_space<vmem>>) offsets(%dma_start3A_118 : memref<128xi32, #tpu.memory_space<vmem>>) semaphore(%arg15 : memref<!tpu.dma_semaphore, #tpu.memory_space<semaphore_mem>>)
      %dma_wait3A_122 = arith.constant 1 : i32
      %dma_wait3A_123 = arith.constant 128 : i32
      %dma_wait3A_124 = arith.constant 0 : i32
      %dma_wait3A_125 = tpu.memref_slice %arg14[%dma_wait3A_123, %dma_wait3A_124] : memref<256x128xf32, #tpu.memory_space<vmem>> -> memref<128x128xf32, #tpu.memory_space<vmem>>
      %dma_wait3A_126 = arith.constant 0 : i32
      %dma_wait3A_127 = tpu.memref_slice %arg10[%dma_wait3A_122, %dma_wait3A_126] : memref<2x128xi32, #tpu.memory_space<vmem>> -> memref<1x128xi32, #tpu.memory_space<vmem>>
      %dma_wait3A_128 = tpu.memref_squeeze %dma_wait3A_127 : memref<1x128xi32, #tpu.memory_space<vmem>> -> memref<128xi32, #tpu.memory_space<vmem>>
      %dma_wait3A_129 = arith.constant 0 : i32
      %dma_wait3A_130 = arith.constant 0 : i32
      %dma_wait3A_131 = tpu.memref_slice %arg4[%dma_wait3A_129, %dma_wait3A_130] : memref<40000x128xf32, #tpu.memory_space<hbm>> -> memref<40000x128xf32, #tpu.memory_space<hbm>>
      tpu.wait_indirect_dma semaphore(%arg15 : memref<!tpu.dma_semaphore, #tpu.memory_space<semaphore_mem>>) src(%dma_wait3A_131 : memref<40000x128xf32, #tpu.memory_space<hbm>>) dst(%dma_wait3A_125 : memref<128x128xf32, #tpu.memory_space<vmem>>)
      "tpu.region"() ({
        %run_scoped3A = tpu.sem_alloc : memref<!tpu.dma_semaphore, #tpu.memory_space<semaphore_mem>>
        %dma_start3A_132 = arith.constant 0 : i32
        %dma_start3A_133 = tpu.memref_slice %arg7[%mul3A_13, %dma_start3A_132] : memref<327680x128xf32, #tpu.memory_space<hbm>> -> memref<256x128xf32, #tpu.memory_space<hbm>>
        %dma_start3A_134 = arith.constant 0 : i32
        %dma_start3A_135 = tpu.memref_slice %arg7[%mul3A_13, %dma_start3A_134] : memref<327680x128xf32, #tpu.memory_space<hbm>> -> memref<256x128xf32, #tpu.memory_space<hbm>>
        tpu.enqueue_dma source(%arg12 : memref<256x128xf32, #tpu.memory_space<vmem>>) target(%dma_start3A_135 : memref<256x128xf32, #tpu.memory_space<hbm>>) target_semaphore(%run_scoped3A : memref<!tpu.dma_semaphore, #tpu.memory_space<semaphore_mem>>)
        %dma_wait3A_136 = arith.constant 0 : i32
        %dma_wait3A_137 = tpu.memref_slice %arg7[%mul3A_13, %dma_wait3A_136] : memref<327680x128xf32, #tpu.memory_space<hbm>> -> memref<256x128xf32, #tpu.memory_space<hbm>>
        %dma_wait3A_138 = arith.constant 0 : i32
        %dma_wait3A_139 = tpu.memref_slice %arg7[%mul3A_13, %dma_wait3A_138] : memref<327680x128xf32, #tpu.memory_space<hbm>> -> memref<256x128xf32, #tpu.memory_space<hbm>>
        tpu.wait_dma2 semaphore(%run_scoped3A : memref<!tpu.dma_semaphore, #tpu.memory_space<semaphore_mem>>) src(%arg12 : memref<256x128xf32, #tpu.memory_space<vmem>>) dst(%dma_wait3A_139 : memref<256x128xf32, #tpu.memory_space<hbm>>)
        tpu.yield
      }) : () -> ()
      "tpu.region"() ({
        %run_scoped3A = tpu.sem_alloc : memref<!tpu.dma_semaphore, #tpu.memory_space<semaphore_mem>>
        %dma_start3A_132 = arith.constant 0 : i32
        %dma_start3A_133 = tpu.memref_slice %arg8[%mul3A_13, %dma_start3A_132] : memref<327680x128xf32, #tpu.memory_space<hbm>> -> memref<256x128xf32, #tpu.memory_space<hbm>>
        %dma_start3A_134 = arith.constant 0 : i32
        %dma_start3A_135 = tpu.memref_slice %arg8[%mul3A_13, %dma_start3A_134] : memref<327680x128xf32, #tpu.memory_space<hbm>> -> memref<256x128xf32, #tpu.memory_space<hbm>>
        tpu.enqueue_dma source(%arg13 : memref<256x128xf32, #tpu.memory_space<vmem>>) target(%dma_start3A_135 : memref<256x128xf32, #tpu.memory_space<hbm>>) target_semaphore(%run_scoped3A : memref<!tpu.dma_semaphore, #tpu.memory_space<semaphore_mem>>)
        %dma_wait3A_136 = arith.constant 0 : i32
        %dma_wait3A_137 = tpu.memref_slice %arg8[%mul3A_13, %dma_wait3A_136] : memref<327680x128xf32, #tpu.memory_space<hbm>> -> memref<256x128xf32, #tpu.memory_space<hbm>>
        %dma_wait3A_138 = arith.constant 0 : i32
        %dma_wait3A_139 = tpu.memref_slice %arg8[%mul3A_13, %dma_wait3A_138] : memref<327680x128xf32, #tpu.memory_space<hbm>> -> memref<256x128xf32, #tpu.memory_space<hbm>>
        tpu.wait_dma2 semaphore(%run_scoped3A : memref<!tpu.dma_semaphore, #tpu.memory_space<semaphore_mem>>) src(%arg13 : memref<256x128xf32, #tpu.memory_space<vmem>>) dst(%dma_wait3A_139 : memref<256x128xf32, #tpu.memory_space<hbm>>)
        tpu.yield
      }) : () -> ()
      "tpu.region"() ({
        %run_scoped3A = tpu.sem_alloc : memref<!tpu.dma_semaphore, #tpu.memory_space<semaphore_mem>>
        %dma_start3A_132 = arith.constant 0 : i32
        %dma_start3A_133 = tpu.memref_slice %arg9[%mul3A_13, %dma_start3A_132] : memref<327680x128xf32, #tpu.memory_space<hbm>> -> memref<256x128xf32, #tpu.memory_space<hbm>>
        %dma_start3A_134 = arith.constant 0 : i32
        %dma_start3A_135 = tpu.memref_slice %arg9[%mul3A_13, %dma_start3A_134] : memref<327680x128xf32, #tpu.memory_space<hbm>> -> memref<256x128xf32, #tpu.memory_space<hbm>>
        tpu.enqueue_dma source(%arg14 : memref<256x128xf32, #tpu.memory_space<vmem>>) target(%dma_start3A_135 : memref<256x128xf32, #tpu.memory_space<hbm>>) target_semaphore(%run_scoped3A : memref<!tpu.dma_semaphore, #tpu.memory_space<semaphore_mem>>)
        %dma_wait3A_136 = arith.constant 0 : i32
        %dma_wait3A_137 = tpu.memref_slice %arg9[%mul3A_13, %dma_wait3A_136] : memref<327680x128xf32, #tpu.memory_space<hbm>> -> memref<256x128xf32, #tpu.memory_space<hbm>>
        %dma_wait3A_138 = arith.constant 0 : i32
        %dma_wait3A_139 = tpu.memref_slice %arg9[%mul3A_13, %dma_wait3A_138] : memref<327680x128xf32, #tpu.memory_space<hbm>> -> memref<256x128xf32, #tpu.memory_space<hbm>>
        tpu.wait_dma2 semaphore(%run_scoped3A : memref<!tpu.dma_semaphore, #tpu.memory_space<semaphore_mem>>) src(%arg14 : memref<256x128xf32, #tpu.memory_space<vmem>>) dst(%dma_wait3A_139 : memref<256x128xf32, #tpu.memory_space<hbm>>)
        tpu.yield
      }) : () -> ()
    }
    %scan3A_7 = arith.constant 40 : i32
    return
  }
}

#map = affine_map<(d0, d1) -> (0, 0)>
#map1 = affine_map<(d0, d1) -> (0, 0, 0)>
module attributes {stable_mosaic.version = 14 : i64} {
  func.func @_sc_scatter(%arg0: i32, %arg1: i32, %arg2: memref<327680x128xf32, #tpu.memory_space<hbm>>, %arg3: memref<2560x128xi32, #tpu.memory_space<hbm>>, %arg4: memref<10048x128xf32, #tpu.memory_space<hbm>>, %arg5: memref<2x10048x128xf32, #tpu.memory_space<hbm>>, %arg6: memref<2x128xi32, #tpu.memory_space<vmem>>, %arg7: memref<256x128xf32, #tpu.memory_space<vmem>>, %arg8: memref<10048x128xf32, #tpu.memory_space<vmem_shared>>) attributes {dimension_semantics = [#tpu.dimension_semantics<core_parallel>, #tpu.dimension_semantics<subcore_parallel>], iteration_bounds = array<i64: 2, 16>, scalar_prefetch = 0 : i64, scratch_operands = 3 : i64, tpu.core_type = #tpu.core_type<sc_vector_subcore>, window_params = [{transform_indices = #map}, {transform_indices = #map}, {transform_indices = #map}, {transform_indices = #map1}]} {
    %eq3A = arith.constant 0 : i32
    %eq3A_0 = arith.cmpi eq, %arg1, %eq3A : i32
    %convert_element_type3A = arith.extui %eq3A_0 : i1 to i32
    %cond3A = arith.constant 0 : i32
    %cond3A_1 = arith.cmpi ne, %convert_element_type3A, %cond3A : i32
    scf.if %cond3A_1 {
      "tpu.region"() ({
        %run_scoped3A = tpu.sem_alloc : memref<!tpu.dma_semaphore, #tpu.memory_space<semaphore_mem>>
        tpu.enqueue_dma source(%arg4 : memref<10048x128xf32, #tpu.memory_space<hbm>>) target(%arg8 : memref<10048x128xf32, #tpu.memory_space<vmem_shared>>) target_semaphore(%run_scoped3A : memref<!tpu.dma_semaphore, #tpu.memory_space<semaphore_mem>>)
        tpu.wait_dma2 semaphore(%run_scoped3A : memref<!tpu.dma_semaphore, #tpu.memory_space<semaphore_mem>>) src(%arg4 : memref<10048x128xf32, #tpu.memory_space<hbm>>) dst(%arg8 : memref<10048x128xf32, #tpu.memory_space<vmem_shared>>)
        tpu.yield
      }) : () -> ()
    } else {
    }
    %barrier3A = arith.constant 0 : index
    tpu.barrier barrier_id(%barrier3A)
    %mul3A = arith.constant 2 : i32
    %mul3A_2 = arith.muli %arg1, %mul3A : i32
    %add3A = arith.addi %mul3A_2, %arg0 : i32
    %mul3A_3 = arith.constant 80 : i32
    %mul3A_4 = arith.muli %add3A, %mul3A_3 : i32
    %scan3A = arith.constant 0 : i32
    %scan3A_5 = arith.constant 0 : i32
    %scan3A_6 = arith.constant 40 : i32
    %scan3A_7 = arith.addi %scan3A_5, %scan3A_6 : i32
    %scan3A_8 = arith.constant 1 : i32
    scf.for %scan3A_16 = %scan3A_5 to %scan3A_7 step %scan3A_8  : i32 {
      %mul3A_17 = arith.constant 2 : i32
      %mul3A_18 = arith.muli %scan3A_16, %mul3A_17 : i32
      %add3A_19 = arith.addi %mul3A_4, %mul3A_18 : i32
      %mul3A_20 = arith.constant 128 : i32
      %mul3A_21 = arith.muli %add3A_19, %mul3A_20 : i32
      "tpu.region"() ({
        %run_scoped3A_23 = tpu.sem_alloc : memref<!tpu.dma_semaphore, #tpu.memory_space<semaphore_mem>>
        %dma_start3A = arith.constant 0 : i32
        %dma_start3A_24 = tpu.memref_slice %arg3[%add3A_19, %dma_start3A] : memref<2560x128xi32, #tpu.memory_space<hbm>> -> memref<2x128xi32, #tpu.memory_space<hbm>>
        %dma_start3A_25 = arith.constant 0 : i32
        %dma_start3A_26 = tpu.memref_slice %arg3[%add3A_19, %dma_start3A_25] : memref<2560x128xi32, #tpu.memory_space<hbm>> -> memref<2x128xi32, #tpu.memory_space<hbm>>
        tpu.enqueue_dma source(%dma_start3A_26 : memref<2x128xi32, #tpu.memory_space<hbm>>) target(%arg6 : memref<2x128xi32, #tpu.memory_space<vmem>>) target_semaphore(%run_scoped3A_23 : memref<!tpu.dma_semaphore, #tpu.memory_space<semaphore_mem>>)
        %dma_wait3A = arith.constant 0 : i32
        %dma_wait3A_27 = tpu.memref_slice %arg3[%add3A_19, %dma_wait3A] : memref<2560x128xi32, #tpu.memory_space<hbm>> -> memref<2x128xi32, #tpu.memory_space<hbm>>
        %dma_wait3A_28 = arith.constant 0 : i32
        %dma_wait3A_29 = tpu.memref_slice %arg3[%add3A_19, %dma_wait3A_28] : memref<2560x128xi32, #tpu.memory_space<hbm>> -> memref<2x128xi32, #tpu.memory_space<hbm>>
        tpu.wait_dma2 semaphore(%run_scoped3A_23 : memref<!tpu.dma_semaphore, #tpu.memory_space<semaphore_mem>>) src(%dma_wait3A_29 : memref<2x128xi32, #tpu.memory_space<hbm>>) dst(%arg6 : memref<2x128xi32, #tpu.memory_space<vmem>>)
        tpu.yield
      }) : () -> ()
      "tpu.region"() ({
        %run_scoped3A_23 = tpu.sem_alloc : memref<!tpu.dma_semaphore, #tpu.memory_space<semaphore_mem>>
        %dma_start3A = arith.constant 0 : i32
        %dma_start3A_24 = tpu.memref_slice %arg2[%mul3A_21, %dma_start3A] : memref<327680x128xf32, #tpu.memory_space<hbm>> -> memref<256x128xf32, #tpu.memory_space<hbm>>
        %dma_start3A_25 = arith.constant 0 : i32
        %dma_start3A_26 = tpu.memref_slice %arg2[%mul3A_21, %dma_start3A_25] : memref<327680x128xf32, #tpu.memory_space<hbm>> -> memref<256x128xf32, #tpu.memory_space<hbm>>
        tpu.enqueue_dma source(%dma_start3A_26 : memref<256x128xf32, #tpu.memory_space<hbm>>) target(%arg7 : memref<256x128xf32, #tpu.memory_space<vmem>>) target_semaphore(%run_scoped3A_23 : memref<!tpu.dma_semaphore, #tpu.memory_space<semaphore_mem>>)
        %dma_wait3A = arith.constant 0 : i32
        %dma_wait3A_27 = tpu.memref_slice %arg2[%mul3A_21, %dma_wait3A] : memref<327680x128xf32, #tpu.memory_space<hbm>> -> memref<256x128xf32, #tpu.memory_space<hbm>>
        %dma_wait3A_28 = arith.constant 0 : i32
        %dma_wait3A_29 = tpu.memref_slice %arg2[%mul3A_21, %dma_wait3A_28] : memref<327680x128xf32, #tpu.memory_space<hbm>> -> memref<256x128xf32, #tpu.memory_space<hbm>>
        tpu.wait_dma2 semaphore(%run_scoped3A_23 : memref<!tpu.dma_semaphore, #tpu.memory_space<semaphore_mem>>) src(%dma_wait3A_29 : memref<256x128xf32, #tpu.memory_space<hbm>>) dst(%arg7 : memref<256x128xf32, #tpu.memory_space<vmem>>)
        tpu.yield
      }) : () -> ()
      %run_scoped3A = arith.constant 0 : i32
      "tpu.region"() ({
        %run_scoped3A_23 = tpu.sem_alloc : memref<!tpu.dma_semaphore, #tpu.memory_space<semaphore_mem>>
        %dma_start3A = arith.constant 0 : i32
        %dma_start3A_24 = arith.constant 0 : i32
        %dma_start3A_25 = tpu.memref_slice %arg7[%dma_start3A, %dma_start3A_24] : memref<256x128xf32, #tpu.memory_space<vmem>> -> memref<128x128xf32, #tpu.memory_space<vmem>>
        %dma_start3A_26 = arith.constant 0 : i32
        %dma_start3A_27 = tpu.memref_slice %arg6[%run_scoped3A, %dma_start3A_26] : memref<2x128xi32, #tpu.memory_space<vmem>> -> memref<1x128xi32, #tpu.memory_space<vmem>>
        %dma_start3A_28 = tpu.memref_squeeze %dma_start3A_27 : memref<1x128xi32, #tpu.memory_space<vmem>> -> memref<128xi32, #tpu.memory_space<vmem>>
        %dma_start3A_29 = arith.constant 0 : i32
        %dma_start3A_30 = arith.constant 0 : i32
        %dma_start3A_31 = tpu.memref_slice %arg8[%dma_start3A_29, %dma_start3A_30] : memref<10048x128xf32, #tpu.memory_space<vmem_shared>> -> memref<10048x128xf32, #tpu.memory_space<vmem_shared>>
        tpu.enqueue_indirect_dma source(%dma_start3A_25 : memref<128x128xf32, #tpu.memory_space<vmem>>) target(%dma_start3A_31 : memref<10048x128xf32, #tpu.memory_space<vmem_shared>>) offsets(%dma_start3A_28 : memref<128xi32, #tpu.memory_space<vmem>>) semaphore(%run_scoped3A_23 : memref<!tpu.dma_semaphore, #tpu.memory_space<semaphore_mem>>) {add = true}
        %dma_wait3A = arith.constant 0 : i32
        %dma_wait3A_32 = arith.constant 0 : i32
        %dma_wait3A_33 = tpu.memref_slice %arg7[%dma_wait3A, %dma_wait3A_32] : memref<256x128xf32, #tpu.memory_space<vmem>> -> memref<128x128xf32, #tpu.memory_space<vmem>>
        %dma_wait3A_34 = arith.constant 0 : i32
        %dma_wait3A_35 = tpu.memref_slice %arg6[%run_scoped3A, %dma_wait3A_34] : memref<2x128xi32, #tpu.memory_space<vmem>> -> memref<1x128xi32, #tpu.memory_space<vmem>>
        %dma_wait3A_36 = tpu.memref_squeeze %dma_wait3A_35 : memref<1x128xi32, #tpu.memory_space<vmem>> -> memref<128xi32, #tpu.memory_space<vmem>>
        %dma_wait3A_37 = arith.constant 0 : i32
        %dma_wait3A_38 = arith.constant 0 : i32
        %dma_wait3A_39 = tpu.memref_slice %arg8[%dma_wait3A_37, %dma_wait3A_38] : memref<10048x128xf32, #tpu.memory_space<vmem_shared>> -> memref<10048x128xf32, #tpu.memory_space<vmem_shared>>
        tpu.wait_indirect_dma semaphore(%run_scoped3A_23 : memref<!tpu.dma_semaphore, #tpu.memory_space<semaphore_mem>>) src(%dma_wait3A_33 : memref<128x128xf32, #tpu.memory_space<vmem>>) dst(%dma_wait3A_39 : memref<10048x128xf32, #tpu.memory_space<vmem_shared>>)
        tpu.yield
      }) : () -> ()
      %run_scoped3A_22 = arith.constant 1 : i32
      "tpu.region"() ({
        %run_scoped3A_23 = tpu.sem_alloc : memref<!tpu.dma_semaphore, #tpu.memory_space<semaphore_mem>>
        %dma_start3A = arith.constant 128 : i32
        %dma_start3A_24 = arith.constant 0 : i32
        %dma_start3A_25 = tpu.memref_slice %arg7[%dma_start3A, %dma_start3A_24] : memref<256x128xf32, #tpu.memory_space<vmem>> -> memref<128x128xf32, #tpu.memory_space<vmem>>
        %dma_start3A_26 = arith.constant 0 : i32
        %dma_start3A_27 = tpu.memref_slice %arg6[%run_scoped3A_22, %dma_start3A_26] : memref<2x128xi32, #tpu.memory_space<vmem>> -> memref<1x128xi32, #tpu.memory_space<vmem>>
        %dma_start3A_28 = tpu.memref_squeeze %dma_start3A_27 : memref<1x128xi32, #tpu.memory_space<vmem>> -> memref<128xi32, #tpu.memory_space<vmem>>
        %dma_start3A_29 = arith.constant 0 : i32
        %dma_start3A_30 = arith.constant 0 : i32
        %dma_start3A_31 = tpu.memref_slice %arg8[%dma_start3A_29, %dma_start3A_30] : memref<10048x128xf32, #tpu.memory_space<vmem_shared>> -> memref<10048x128xf32, #tpu.memory_space<vmem_shared>>
        tpu.enqueue_indirect_dma source(%dma_start3A_25 : memref<128x128xf32, #tpu.memory_space<vmem>>) target(%dma_start3A_31 : memref<10048x128xf32, #tpu.memory_space<vmem_shared>>) offsets(%dma_start3A_28 : memref<128xi32, #tpu.memory_space<vmem>>) semaphore(%run_scoped3A_23 : memref<!tpu.dma_semaphore, #tpu.memory_space<semaphore_mem>>) {add = true}
        %dma_wait3A = arith.constant 128 : i32
        %dma_wait3A_32 = arith.constant 0 : i32
        %dma_wait3A_33 = tpu.memref_slice %arg7[%dma_wait3A, %dma_wait3A_32] : memref<256x128xf32, #tpu.memory_space<vmem>> -> memref<128x128xf32, #tpu.memory_space<vmem>>
        %dma_wait3A_34 = arith.constant 0 : i32
        %dma_wait3A_35 = tpu.memref_slice %arg6[%run_scoped3A_22, %dma_wait3A_34] : memref<2x128xi32, #tpu.memory_space<vmem>> -> memref<1x128xi32, #tpu.memory_space<vmem>>
        %dma_wait3A_36 = tpu.memref_squeeze %dma_wait3A_35 : memref<1x128xi32, #tpu.memory_space<vmem>> -> memref<128xi32, #tpu.memory_space<vmem>>
        %dma_wait3A_37 = arith.constant 0 : i32
        %dma_wait3A_38 = arith.constant 0 : i32
        %dma_wait3A_39 = tpu.memref_slice %arg8[%dma_wait3A_37, %dma_wait3A_38] : memref<10048x128xf32, #tpu.memory_space<vmem_shared>> -> memref<10048x128xf32, #tpu.memory_space<vmem_shared>>
        tpu.wait_indirect_dma semaphore(%run_scoped3A_23 : memref<!tpu.dma_semaphore, #tpu.memory_space<semaphore_mem>>) src(%dma_wait3A_33 : memref<128x128xf32, #tpu.memory_space<vmem>>) dst(%dma_wait3A_39 : memref<10048x128xf32, #tpu.memory_space<vmem_shared>>)
        tpu.yield
      }) : () -> ()
    }
    %scan3A_9 = arith.constant 40 : i32
    %barrier3A_10 = arith.constant 0 : index
    tpu.barrier barrier_id(%barrier3A_10)
    %eq3A_11 = arith.constant 0 : i32
    %eq3A_12 = arith.cmpi eq, %arg1, %eq3A_11 : i32
    %convert_element_type3A_13 = arith.extui %eq3A_12 : i1 to i32
    %cond3A_14 = arith.constant 0 : i32
    %cond3A_15 = arith.cmpi ne, %convert_element_type3A_13, %cond3A_14 : i32
    scf.if %cond3A_15 {
      "tpu.region"() ({
        %run_scoped3A = tpu.sem_alloc : memref<!tpu.dma_semaphore, #tpu.memory_space<semaphore_mem>>
        %dma_start3A = arith.constant 0 : i32
        %dma_start3A_16 = arith.constant 0 : i32
        %dma_start3A_17 = tpu.memref_slice %arg5[%arg0, %dma_start3A, %dma_start3A_16] : memref<2x10048x128xf32, #tpu.memory_space<hbm>> -> memref<1x10048x128xf32, #tpu.memory_space<hbm>>
        %dma_start3A_18 = tpu.memref_squeeze %dma_start3A_17 : memref<1x10048x128xf32, #tpu.memory_space<hbm>> -> memref<10048x128xf32, #tpu.memory_space<hbm>>
        tpu.enqueue_dma source(%arg8 : memref<10048x128xf32, #tpu.memory_space<vmem_shared>>) target(%dma_start3A_18 : memref<10048x128xf32, #tpu.memory_space<hbm>>) target_semaphore(%run_scoped3A : memref<!tpu.dma_semaphore, #tpu.memory_space<semaphore_mem>>)
        %dma_wait3A = arith.constant 0 : i32
        %dma_wait3A_19 = arith.constant 0 : i32
        %dma_wait3A_20 = tpu.memref_slice %arg5[%arg0, %dma_wait3A, %dma_wait3A_19] : memref<2x10048x128xf32, #tpu.memory_space<hbm>> -> memref<1x10048x128xf32, #tpu.memory_space<hbm>>
        %dma_wait3A_21 = tpu.memref_squeeze %dma_wait3A_20 : memref<1x10048x128xf32, #tpu.memory_space<hbm>> -> memref<10048x128xf32, #tpu.memory_space<hbm>>
        tpu.wait_dma2 semaphore(%run_scoped3A : memref<!tpu.dma_semaphore, #tpu.memory_space<semaphore_mem>>) src(%arg8 : memref<10048x128xf32, #tpu.memory_space<vmem_shared>>) dst(%dma_wait3A_21 : memref<10048x128xf32, #tpu.memory_space<hbm>>)
        tpu.yield
      }) : () -> ()
    } else {
    }
    return
  }
}

module attributes {stable_mosaic.version = 14 : i64} {
  func.func @_proj_body(%arg0: i32, %arg1: memref<1000x128xf32, #tpu.memory_space<vmem>>, %arg2: memref<128x1536xf32, #tpu.memory_space<vmem>>, %arg3: memref<1x1536xf32, #tpu.memory_space<vmem>>, %arg4: memref<1000x512xf32, #tpu.memory_space<vmem>>, %arg5: memref<1000x512xf32, #tpu.memory_space<vmem>>, %arg6: memref<1000x512xf32, #tpu.memory_space<vmem>>) attributes {dimension_semantics = [#tpu.dimension_semantics<arbitrary>], iteration_bounds = array<i64: 10>, scalar_prefetch = 0 : i64, scratch_operands = 0 : i64, tpu.core_type = #tpu.core_type<tc>, window_params = [{transform_indices = @transform_0, window_bounds = array<i64: 1000, 128>}, {pipeline_mode = #tpu.pipeline_mode<synchronous>, transform_indices = @transform_1, window_bounds = array<i64: 128, 1536>}, {pipeline_mode = #tpu.pipeline_mode<synchronous>, transform_indices = @transform_2, window_bounds = array<i64: 1, 1536>}, {transform_indices = @transform_3, window_bounds = array<i64: 1000, 512>}, {transform_indices = @transform_4, window_bounds = array<i64: 1000, 512>}, {transform_indices = @transform_5, window_bounds = array<i64: 1000, 512>}]} {
    %get3A = arith.constant 0 : index
    %get3A_0 = arith.constant 0 : index
    %get3A_1 = vector.load %arg1[%get3A, %get3A_0] : memref<1000x128xf32, #tpu.memory_space<vmem>>, vector<1000x128xf32>
    %get3A_2 = arith.constant 0 : index
    %get3A_3 = arith.constant 0 : index
    %get3A_4 = vector.load %arg2[%get3A_2, %get3A_3] : memref<128x1536xf32, #tpu.memory_space<vmem>>, vector<128x1536xf32>
    %dot_general3A = arith.constant dense<0.000000e+00> : vector<1000x1536xf32>
    %dot_general3A_5 = tpu.matmul %get3A_1, %get3A_4, %dot_general3A {dimension_numbers = #tpu.dot_dimension_numbers<[1], [0], [0], [1], [0, 0, 1, 1], [], []>, transpose_lhs_hint = false} : vector<1000x128xf32>, vector<128x1536xf32>, vector<1000x1536xf32> -> vector<1000x1536xf32>
    %get3A_6 = arith.constant 0 : index
    %get3A_7 = arith.constant 0 : index
    %get3A_8 = vector.load %arg3[%get3A_6, %get3A_7] : memref<1x1536xf32, #tpu.memory_space<vmem>>, vector<1x1536xf32>
    %add3A = vector.broadcast %get3A_8 : vector<1x1536xf32> to vector<1000x1536xf32>
    %add3A_9 = arith.addf %dot_general3A_5, %add3A : vector<1000x1536xf32>
    %slice3A = vector.extract_strided_slice %add3A_9 {offsets = [0, 0], sizes = [1000, 512], strides = [1, 1]} : vector<1000x1536xf32> to vector<1000x512xf32>
    %swap3A = arith.constant 0 : index
    %swap3A_10 = arith.constant 0 : index
    %swap3A_11 = vector.load %arg4[%swap3A, %swap3A_10] : memref<1000x512xf32, #tpu.memory_space<vmem>>, vector<1000x512xf32>
    tpu.vector_store %arg4[%swap3A, %swap3A_10], %slice3A {strides = array<i32>} : memref<1000x512xf32, #tpu.memory_space<vmem>>, vector<1000x512xf32>,
    %slice3A_12 = vector.extract_strided_slice %add3A_9 {offsets = [0, 512], sizes = [1000, 512], strides = [1, 1]} : vector<1000x1536xf32> to vector<1000x512xf32>
    %swap3A_13 = arith.constant 0 : index
    %swap3A_14 = arith.constant 0 : index
    %swap3A_15 = vector.load %arg5[%swap3A_13, %swap3A_14] : memref<1000x512xf32, #tpu.memory_space<vmem>>, vector<1000x512xf32>
    tpu.vector_store %arg5[%swap3A_13, %swap3A_14], %slice3A_12 {strides = array<i32>} : memref<1000x512xf32, #tpu.memory_space<vmem>>, vector<1000x512xf32>,
    %slice3A_16 = vector.extract_strided_slice %add3A_9 {offsets = [0, 1024], sizes = [1000, 512], strides = [1, 1]} : vector<1000x1536xf32> to vector<1000x512xf32>
    %swap3A_17 = arith.constant 0 : index
    %swap3A_18 = arith.constant 0 : index
    %swap3A_19 = vector.load %arg6[%swap3A_17, %swap3A_18] : memref<1000x512xf32, #tpu.memory_space<vmem>>, vector<1000x512xf32>
    tpu.vector_store %arg6[%swap3A_17, %swap3A_18], %slice3A_16 {strides = array<i32>} : memref<1000x512xf32, #tpu.memory_space<vmem>>, vector<1000x512xf32>,
    return
  }
  func.func @transform_0(%arg0: i32) -> (i32, i32) {
    %c0_i32 = arith.constant 0 : i32
    %c0_i32_0 = arith.constant 0 : i32
    return %arg0, %c0_i32 : i32, i32
  }
  func.func @transform_1(%arg0: i32) -> (i32, i32) {
    %c0_i32 = arith.constant 0 : i32
    %c0_i32_0 = arith.constant 0 : i32
    %c0_i32_1 = arith.constant 0 : i32
    return %c0_i32, %c0_i32_0 : i32, i32
  }
  func.func @transform_2(%arg0: i32) -> (i32, i32) {
    %c0_i32 = arith.constant 0 : i32
    %c0_i32_0 = arith.constant 0 : i32
    %c0_i32_1 = arith.constant 0 : i32
    return %c0_i32, %c0_i32_0 : i32, i32
  }
  func.func @transform_3(%arg0: i32) -> (i32, i32) {
    %c0_i32 = arith.constant 0 : i32
    %c0_i32_0 = arith.constant 0 : i32
    return %arg0, %c0_i32 : i32, i32
  }
  func.func @transform_4(%arg0: i32) -> (i32, i32) {
    %c0_i32 = arith.constant 0 : i32
    %c0_i32_0 = arith.constant 0 : i32
    return %arg0, %c0_i32 : i32, i32
  }
  func.func @transform_5(%arg0: i32) -> (i32, i32) {
    %c0_i32 = arith.constant 0 : i32
    %c0_i32_0 = arith.constant 0 : i32
    return %arg0, %c0_i32 : i32, i32
  }
}

module attributes {stable_mosaic.version = 14 : i64} {
  func.func @_edge_body(%arg0: i32, %arg1: memref<2048x128xf32, #tpu.memory_space<vmem>>, %arg2: memref<2048x128xf32, #tpu.memory_space<vmem>>, %arg3: memref<2048x128xf32, #tpu.memory_space<vmem>>, %arg4: memref<128x128xf32, #tpu.memory_space<vmem>>, %arg5: memref<16x128xf32, #tpu.memory_space<vmem>>, %arg6: memref<2048x128xf32, #tpu.memory_space<vmem>>, %arg7: memref<2048x128xf32, #tpu.memory_space<vmem>>) attributes {dimension_semantics = [#tpu.dimension_semantics<arbitrary>], iteration_bounds = array<i64: 160>, scalar_prefetch = 0 : i64, scratch_operands = 0 : i64, tpu.core_type = #tpu.core_type<tc>, window_params = [{transform_indices = @transform_0, window_bounds = array<i64: 2048, 128>}, {transform_indices = @transform_1, window_bounds = array<i64: 2048, 128>}, {transform_indices = @transform_2, window_bounds = array<i64: 2048, 128>}, {pipeline_mode = #tpu.pipeline_mode<synchronous>, transform_indices = @transform_3, window_bounds = array<i64: 128, 128>}, {pipeline_mode = #tpu.pipeline_mode<synchronous>, transform_indices = @transform_4, window_bounds = array<i64: 16, 128>}, {transform_indices = @transform_5, window_bounds = array<i64: 2048, 128>}, {transform_indices = @transform_6, window_bounds = array<i64: 2048, 128>}]} {
    %get3A = arith.constant 0 : index
    %get3A_0 = arith.constant 0 : index
    %get3A_1 = vector.load %arg1[%get3A, %get3A_0] : memref<2048x128xf32, #tpu.memory_space<vmem>>, vector<2048x128xf32>
    %get3A_2 = arith.constant 0 : index
    %get3A_3 = arith.constant 0 : index
    %get3A_4 = vector.load %arg2[%get3A_2, %get3A_3] : memref<2048x128xf32, #tpu.memory_space<vmem>>, vector<2048x128xf32>
    %mul3A = arith.mulf %get3A_1, %get3A_4 : vector<2048x128xf32>
    %get3A_5 = arith.constant 0 : index
    %get3A_6 = arith.constant 0 : index
    %get3A_7 = vector.load %arg4[%get3A_5, %get3A_6] : memref<128x128xf32, #tpu.memory_space<vmem>>, vector<128x128xf32>
    %dot_general3A = arith.constant dense<0.000000e+00> : vector<2048x128xf32>
    %dot_general3A_8 = tpu.matmul %mul3A, %get3A_7, %dot_general3A {dimension_numbers = #tpu.dot_dimension_numbers<[1], [0], [0], [1], [0, 0, 1, 1], [], []>, transpose_lhs_hint = false} : vector<2048x128xf32>, vector<128x128xf32>, vector<2048x128xf32> -> vector<2048x128xf32>
    %exp3A = math.exp %dot_general3A_8 : vector<2048x128xf32>
    %swap3A = arith.constant 0 : index
    %swap3A_9 = arith.constant 0 : index
    %swap3A_10 = vector.load %arg6[%swap3A, %swap3A_9] : memref<2048x128xf32, #tpu.memory_space<vmem>>, vector<2048x128xf32>
    tpu.vector_store %arg6[%swap3A, %swap3A_9], %exp3A {strides = array<i32>} : memref<2048x128xf32, #tpu.memory_space<vmem>>, vector<2048x128xf32>,
    %get3A_11 = arith.constant 0 : index
    %get3A_12 = arith.constant 0 : index
    %get3A_13 = vector.load %arg3[%get3A_11, %get3A_12] : memref<2048x128xf32, #tpu.memory_space<vmem>>, vector<2048x128xf32>
    %slice3A = vector.extract_strided_slice %exp3A {offsets = [0, 0], sizes = [2048, 16], strides = [1, 1]} : vector<2048x128xf32> to vector<2048x16xf32>
    %get3A_14 = arith.constant 0 : index
    %get3A_15 = arith.constant 0 : index
    %get3A_16 = vector.load %arg5[%get3A_14, %get3A_15] : memref<16x128xf32, #tpu.memory_space<vmem>>, vector<16x128xf32>
    %dot_general3A_17 = arith.constant dense<0.000000e+00> : vector<2048x128xf32>
    %dot_general3A_18 = tpu.matmul %slice3A, %get3A_16, %dot_general3A_17 {dimension_numbers = #tpu.dot_dimension_numbers<[1], [0], [0], [1], [0, 0, 1, 1], [], []>, transpose_lhs_hint = false} : vector<2048x16xf32>, vector<16x128xf32>, vector<2048x128xf32> -> vector<2048x128xf32>
    %mul3A_19 = arith.mulf %get3A_13, %dot_general3A_18 : vector<2048x128xf32>
    %swap3A_20 = arith.constant 0 : index
    %swap3A_21 = arith.constant 0 : index
    %swap3A_22 = vector.load %arg7[%swap3A_20, %swap3A_21] : memref<2048x128xf32, #tpu.memory_space<vmem>>, vector<2048x128xf32>
    tpu.vector_store %arg7[%swap3A_20, %swap3A_21], %mul3A_19 {strides = array<i32>} : memref<2048x128xf32, #tpu.memory_space<vmem>>, vector<2048x128xf32>,
    return
  }
  func.func @transform_0(%arg0: i32) -> (i32, i32) {
    %c0_i32 = arith.constant 0 : i32
    %c0_i32_0 = arith.constant 0 : i32
    return %arg0, %c0_i32 : i32, i32
  }
  func.func @transform_1(%arg0: i32) -> (i32, i32) {
    %c0_i32 = arith.constant 0 : i32
    %c0_i32_0 = arith.constant 0 : i32
    return %arg0, %c0_i32 : i32, i32
  }
  func.func @transform_2(%arg0: i32) -> (i32, i32) {
    %c0_i32 = arith.constant 0 : i32
    %c0_i32_0 = arith.constant 0 : i32
    return %arg0, %c0_i32 : i32, i32
  }
  func.func @transform_3(%arg0: i32) -> (i32, i32) {
    %c0_i32 = arith.constant 0 : i32
    %c0_i32_0 = arith.constant 0 : i32
    %c0_i32_1 = arith.constant 0 : i32
    return %c0_i32, %c0_i32_0 : i32, i32
  }
  func.func @transform_4(%arg0: i32) -> (i32, i32) {
    %c0_i32 = arith.constant 0 : i32
    %c0_i32_0 = arith.constant 0 : i32
    %c0_i32_1 = arith.constant 0 : i32
    return %c0_i32, %c0_i32_0 : i32, i32
  }
  func.func @transform_5(%arg0: i32) -> (i32, i32) {
    %c0_i32 = arith.constant 0 : i32
    %c0_i32_0 = arith.constant 0 : i32
    return %arg0, %c0_i32 : i32, i32
  }
  func.func @transform_6(%arg0: i32) -> (i32, i32) {
    %c0_i32 = arith.constant 0 : i32
    %c0_i32_0 = arith.constant 0 : i32
    return %arg0, %c0_i32 : i32, i32
  }
}

module attributes {stable_mosaic.version = 14 : i64} {
  func.func @_final_body(%arg0: i32, %arg1: memref<1000x128xf32, #tpu.memory_space<vmem>>, %arg2: memref<1000x128xf32, #tpu.memory_space<vmem>>, %arg3: memref<1000x128xf32, #tpu.memory_space<vmem>>, %arg4: memref<1000x128xf32, #tpu.memory_space<vmem>>, %arg5: memref<1000x1xi32, #tpu.memory_space<vmem>>, %arg6: memref<1000x128xf32, #tpu.memory_space<vmem>>, %arg7: memref<16x128xf32, #tpu.memory_space<vmem>>, %arg8: memref<128x512xf32, #tpu.memory_space<vmem>>, %arg9: memref<4x128xf32, #tpu.memory_space<vmem>>, %arg10: memref<1x4xf32, #tpu.memory_space<vmem>>, %arg11: memref<1000x128xf32, #tpu.memory_space<vmem>>) attributes {dimension_semantics = [#tpu.dimension_semantics<arbitrary>], iteration_bounds = array<i64: 10>, scalar_prefetch = 0 : i64, scratch_operands = 0 : i64, tpu.core_type = #tpu.core_type<tc>, window_params = [{transform_indices = @transform_0, window_bounds = array<i64: 1000, 128>}, {transform_indices = @transform_1, window_bounds = array<i64: 1000, 128>}, {transform_indices = @transform_2, window_bounds = array<i64: 1000, 128>}, {transform_indices = @transform_3, window_bounds = array<i64: 1000, 128>}, {transform_indices = @transform_4, window_bounds = array<i64: 1000, 1>}, {transform_indices = @transform_5, window_bounds = array<i64: 1000, 128>}, {pipeline_mode = #tpu.pipeline_mode<synchronous>, transform_indices = @transform_6, window_bounds = array<i64: 16, 128>}, {pipeline_mode = #tpu.pipeline_mode<synchronous>, transform_indices = @transform_7, window_bounds = array<i64: 128, 512>}, {pipeline_mode = #tpu.pipeline_mode<synchronous>, transform_indices = @transform_8, window_bounds = array<i64: 4, 128>}, {pipeline_mode = #tpu.pipeline_mode<synchronous>, transform_indices = @transform_9, window_bounds = array<i64: 1, 4>}, {transform_indices = @transform_10, window_bounds = array<i64: 1000, 128>}]} {
    %get3A = arith.constant 0 : index
    %get3A_0 = arith.constant 0 : index
    %get3A_1 = vector.load %arg3[%get3A, %get3A_0] : memref<1000x128xf32, #tpu.memory_space<vmem>>, vector<1000x128xf32>
    %get3A_2 = arith.constant 0 : index
    %get3A_3 = arith.constant 0 : index
    %get3A_4 = vector.load %arg4[%get3A_2, %get3A_3] : memref<1000x128xf32, #tpu.memory_space<vmem>>, vector<1000x128xf32>
    %add3A = arith.addf %get3A_1, %get3A_4 : vector<1000x128xf32>
    %slice3A = vector.extract_strided_slice %add3A {offsets = [0, 0], sizes = [1000, 16], strides = [1, 1]} : vector<1000x128xf32> to vector<1000x16xf32>
    %add3A_5 = arith.constant 1.000000e-16 : f32
    %add3A_6 = vector.broadcast %add3A_5 : f32 to vector<1000x16xf32>
    %add3A_7 = arith.addf %slice3A, %add3A_6 : vector<1000x16xf32>
    %div3A = arith.constant 1.000000e+00 : f32
    %div3A_8 = vector.broadcast %div3A : f32 to vector<1000x16xf32>
    %div3A_9 = arith.divf %div3A_8, %add3A_7 : vector<1000x16xf32>
    %slice3A_10 = vector.extract_strided_slice %add3A {offsets = [0, 8], sizes = [1000, 1], strides = [1, 1]} : vector<1000x128xf32> to vector<1000x1xf32>
    %max3A = arith.constant 1.000000e+00 : f32
    %max3A_11 = vector.broadcast %max3A : f32 to vector<1000x1xf32>
    %max3A_12 = arith.maximumf %slice3A_10, %max3A_11 : vector<1000x1xf32>
    %div3A_13 = arith.constant 1.000000e+00 : f32
    %div3A_14 = vector.broadcast %div3A_13 : f32 to vector<1000x1xf32>
    %div3A_15 = arith.divf %div3A_14, %max3A_12 : vector<1000x1xf32>
    %get3A_16 = arith.constant 0 : index
    %get3A_17 = arith.constant 0 : index
    %get3A_18 = vector.load %arg7[%get3A_16, %get3A_17] : memref<16x128xf32, #tpu.memory_space<vmem>>, vector<16x128xf32>
    %dot_general3A = arith.constant dense<0.000000e+00> : vector<1000x128xf32>
    %dot_general3A_19 = tpu.matmul %div3A_9, %get3A_18, %dot_general3A {dimension_numbers = #tpu.dot_dimension_numbers<[1], [0], [0], [1], [0, 0, 1, 1], [], []>, transpose_lhs_hint = false} : vector<1000x16xf32>, vector<16x128xf32>, vector<1000x128xf32> -> vector<1000x128xf32>
    %mul3A = vector.broadcast %div3A_15 : vector<1000x1xf32> to vector<1000x128xf32>
    %mul3A_20 = arith.mulf %dot_general3A_19, %mul3A : vector<1000x128xf32>
    %get3A_21 = arith.constant 0 : index
    %get3A_22 = arith.constant 0 : index
    %get3A_23 = vector.load %arg1[%get3A_21, %get3A_22] : memref<1000x128xf32, #tpu.memory_space<vmem>>, vector<1000x128xf32>
    %get3A_24 = arith.constant 0 : index
    %get3A_25 = arith.constant 0 : index
    %get3A_26 = vector.load %arg2[%get3A_24, %get3A_25] : memref<1000x128xf32, #tpu.memory_space<vmem>>, vector<1000x128xf32>
    %add3A_27 = arith.addf %get3A_23, %get3A_26 : vector<1000x128xf32>
    %mul3A_28 = arith.mulf %add3A_27, %mul3A_20 : vector<1000x128xf32>
    %get3A_29 = arith.constant 0 : index
    %get3A_30 = arith.constant 0 : index
    %get3A_31 = vector.load %arg5[%get3A_29, %get3A_30] : memref<1000x1xi32, #tpu.memory_space<vmem>>, vector<1000x1xi32>
    %broadcast_in_dim3A = arith.constant 0.000000e+00 : f32
    %broadcast_in_dim3A_32 = vector.broadcast %broadcast_in_dim3A : f32 to vector<1000x128xf32>
    %broadcast_in_dim3A_33 = arith.constant 0.000000e+00 : f32
    %broadcast_in_dim3A_34 = vector.broadcast %broadcast_in_dim3A_33 : f32 to vector<1000x1xf32>
    %eq3A = arith.constant 0 : i32
    %eq3A_35 = vector.broadcast %eq3A : i32 to vector<1000x1xi32>
    %eq3A_36 = arith.cmpi eq, %get3A_31, %eq3A_35 : vector<1000x1xi32>
    %get3A_37 = arith.constant 0 : index
    %get3A_38 = arith.constant 0 : index
    %get3A_39 = vector.load %arg8[%get3A_37, %get3A_38] : memref<128x512xf32, #tpu.memory_space<vmem>>, vector<128x128xf32>
    %dot_general3A_40 = arith.constant dense<0.000000e+00> : vector<1000x128xf32>
    %dot_general3A_41 = tpu.matmul %mul3A_28, %get3A_39, %dot_general3A_40 {dimension_numbers = #tpu.dot_dimension_numbers<[1], [0], [0], [1], [0, 0, 1, 1], [], []>, transpose_lhs_hint = false} : vector<1000x128xf32>, vector<128x128xf32>, vector<1000x128xf32> -> vector<1000x128xf32>
    %get3A_42 = arith.constant 0 : index
    %get3A_43 = arith.constant 0 : index
    %get3A_44 = vector.load %arg9[%get3A_42, %get3A_43] : memref<4x128xf32, #tpu.memory_space<vmem>>, vector<1x128xf32>
    %add3A_45 = vector.broadcast %get3A_44 : vector<1x128xf32> to vector<1000x128xf32>
    %add3A_46 = arith.addf %dot_general3A_41, %add3A_45 : vector<1000x128xf32>
    %broadcast_in_dim3A_47 = vector.shape_cast %eq3A_36 : vector<1000x1xi1> to vector<1000x1xi1>
    %broadcast_in_dim3A_48 = vector.broadcast %broadcast_in_dim3A_47 : vector<1000x1xi1> to vector<1000x128xi1>
    %select_n3A = arith.select %broadcast_in_dim3A_48, %add3A_46, %broadcast_in_dim3A_32 : vector<1000x128xi1>, vector<1000x128xf32>
    %get3A_49 = arith.constant 0 : index
    %get3A_50 = arith.constant 0 : index
    %get3A_51 = vector.load %arg10[%get3A_49, %get3A_50] : memref<1x4xf32, #tpu.memory_space<vmem>>, vector<1x1xf32>
    %get3A_52 = vector.extract %get3A_51[0, 0] : f32 from vector<1x1xf32>
    %broadcast_in_dim3A_53 = vector.broadcast %get3A_52 : f32 to vector<1000x1xf32>
    %select_n3A_54 = arith.select %eq3A_36, %broadcast_in_dim3A_53, %broadcast_in_dim3A_34 : vector<1000x1xi1>, vector<1000x1xf32>
    %eq3A_55 = arith.constant 1 : i32
    %eq3A_56 = vector.broadcast %eq3A_55 : i32 to vector<1000x1xi32>
    %eq3A_57 = arith.cmpi eq, %get3A_31, %eq3A_56 : vector<1000x1xi32>
    %get3A_58 = arith.constant 0 : index
    %get3A_59 = arith.constant 128 : index
    %get3A_60 = vector.load %arg8[%get3A_58, %get3A_59] : memref<128x512xf32, #tpu.memory_space<vmem>>, vector<128x128xf32>
    %dot_general3A_61 = arith.constant dense<0.000000e+00> : vector<1000x128xf32>
    %dot_general3A_62 = tpu.matmul %mul3A_28, %get3A_60, %dot_general3A_61 {dimension_numbers = #tpu.dot_dimension_numbers<[1], [0], [0], [1], [0, 0, 1, 1], [], []>, transpose_lhs_hint = false} : vector<1000x128xf32>, vector<128x128xf32>, vector<1000x128xf32> -> vector<1000x128xf32>
    %get3A_63 = arith.constant 1 : index
    %get3A_64 = arith.constant 0 : index
    %get3A_65 = vector.load %arg9[%get3A_63, %get3A_64] : memref<4x128xf32, #tpu.memory_space<vmem>>, vector<1x128xf32>
    %add3A_66 = vector.broadcast %get3A_65 : vector<1x128xf32> to vector<1000x128xf32>
    %add3A_67 = arith.addf %dot_general3A_62, %add3A_66 : vector<1000x128xf32>
    %broadcast_in_dim3A_68 = vector.shape_cast %eq3A_57 : vector<1000x1xi1> to vector<1000x1xi1>
    %broadcast_in_dim3A_69 = vector.broadcast %broadcast_in_dim3A_68 : vector<1000x1xi1> to vector<1000x128xi1>
    %select_n3A_70 = arith.select %broadcast_in_dim3A_69, %add3A_67, %select_n3A : vector<1000x128xi1>, vector<1000x128xf32>
    %get3A_71 = arith.constant 0 : index
    %get3A_72 = arith.constant 1 : index
    %get3A_73 = vector.load %arg10[%get3A_71, %get3A_72] : memref<1x4xf32, #tpu.memory_space<vmem>>, vector<1x1xf32>
    %get3A_74 = vector.extract %get3A_73[0, 0] : f32 from vector<1x1xf32>
    %broadcast_in_dim3A_75 = vector.broadcast %get3A_74 : f32 to vector<1000x1xf32>
    %select_n3A_76 = arith.select %eq3A_57, %broadcast_in_dim3A_75, %select_n3A_54 : vector<1000x1xi1>, vector<1000x1xf32>
    %eq3A_77 = arith.constant 2 : i32
    %eq3A_78 = vector.broadcast %eq3A_77 : i32 to vector<1000x1xi32>
    %eq3A_79 = arith.cmpi eq, %get3A_31, %eq3A_78 : vector<1000x1xi32>
    %get3A_80 = arith.constant 0 : index
    %get3A_81 = arith.constant 256 : index
    %get3A_82 = vector.load %arg8[%get3A_80, %get3A_81] : memref<128x512xf32, #tpu.memory_space<vmem>>, vector<128x128xf32>
    %dot_general3A_83 = arith.constant dense<0.000000e+00> : vector<1000x128xf32>
    %dot_general3A_84 = tpu.matmul %mul3A_28, %get3A_82, %dot_general3A_83 {dimension_numbers = #tpu.dot_dimension_numbers<[1], [0], [0], [1], [0, 0, 1, 1], [], []>, transpose_lhs_hint = false} : vector<1000x128xf32>, vector<128x128xf32>, vector<1000x128xf32> -> vector<1000x128xf32>
    %get3A_85 = arith.constant 2 : index
    %get3A_86 = arith.constant 0 : index
    %get3A_87 = vector.load %arg9[%get3A_85, %get3A_86] : memref<4x128xf32, #tpu.memory_space<vmem>>, vector<1x128xf32>
    %add3A_88 = vector.broadcast %get3A_87 : vector<1x128xf32> to vector<1000x128xf32>
    %add3A_89 = arith.addf %dot_general3A_84, %add3A_88 : vector<1000x128xf32>
    %broadcast_in_dim3A_90 = vector.shape_cast %eq3A_79 : vector<1000x1xi1> to vector<1000x1xi1>
    %broadcast_in_dim3A_91 = vector.broadcast %broadcast_in_dim3A_90 : vector<1000x1xi1> to vector<1000x128xi1>
    %select_n3A_92 = arith.select %broadcast_in_dim3A_91, %add3A_89, %select_n3A_70 : vector<1000x128xi1>, vector<1000x128xf32>
    %get3A_93 = arith.constant 0 : index
    %get3A_94 = arith.constant 2 : index
    %get3A_95 = vector.load %arg10[%get3A_93, %get3A_94] : memref<1x4xf32, #tpu.memory_space<vmem>>, vector<1x1xf32>
    %get3A_96 = vector.extract %get3A_95[0, 0] : f32 from vector<1x1xf32>
    %broadcast_in_dim3A_97 = vector.broadcast %get3A_96 : f32 to vector<1000x1xf32>
    %select_n3A_98 = arith.select %eq3A_79, %broadcast_in_dim3A_97, %select_n3A_76 : vector<1000x1xi1>, vector<1000x1xf32>
    %eq3A_99 = arith.constant 3 : i32
    %eq3A_100 = vector.broadcast %eq3A_99 : i32 to vector<1000x1xi32>
    %eq3A_101 = arith.cmpi eq, %get3A_31, %eq3A_100 : vector<1000x1xi32>
    %get3A_102 = arith.constant 0 : index
    %get3A_103 = arith.constant 384 : index
    %get3A_104 = vector.load %arg8[%get3A_102, %get3A_103] : memref<128x512xf32, #tpu.memory_space<vmem>>, vector<128x128xf32>
    %dot_general3A_105 = arith.constant dense<0.000000e+00> : vector<1000x128xf32>
    %dot_general3A_106 = tpu.matmul %mul3A_28, %get3A_104, %dot_general3A_105 {dimension_numbers = #tpu.dot_dimension_numbers<[1], [0], [0], [1], [0, 0, 1, 1], [], []>, transpose_lhs_hint = false} : vector<1000x128xf32>, vector<128x128xf32>, vector<1000x128xf32> -> vector<1000x128xf32>
    %get3A_107 = arith.constant 3 : index
    %get3A_108 = arith.constant 0 : index
    %get3A_109 = vector.load %arg9[%get3A_107, %get3A_108] : memref<4x128xf32, #tpu.memory_space<vmem>>, vector<1x128xf32>
    %add3A_110 = vector.broadcast %get3A_109 : vector<1x128xf32> to vector<1000x128xf32>
    %add3A_111 = arith.addf %dot_general3A_106, %add3A_110 : vector<1000x128xf32>
    %broadcast_in_dim3A_112 = vector.shape_cast %eq3A_101 : vector<1000x1xi1> to vector<1000x1xi1>
    %broadcast_in_dim3A_113 = vector.broadcast %broadcast_in_dim3A_112 : vector<1000x1xi1> to vector<1000x128xi1>
    %select_n3A_114 = arith.select %broadcast_in_dim3A_113, %add3A_111, %select_n3A_92 : vector<1000x128xi1>, vector<1000x128xf32>
    %get3A_115 = arith.constant 0 : index
    %get3A_116 = arith.constant 3 : index
    %get3A_117 = vector.load %arg10[%get3A_115, %get3A_116] : memref<1x4xf32, #tpu.memory_space<vmem>>, vector<1x1xf32>
    %get3A_118 = vector.extract %get3A_117[0, 0] : f32 from vector<1x1xf32>
    %broadcast_in_dim3A_119 = vector.broadcast %get3A_118 : f32 to vector<1000x1xf32>
    %select_n3A_120 = arith.select %eq3A_101, %broadcast_in_dim3A_119, %select_n3A_98 : vector<1000x1xi1>, vector<1000x1xf32>
    %neg3A = arith.constant 0.000000e+00 : f32
    %neg3A_121 = vector.broadcast %neg3A : f32 to vector<1000x1xf32>
    %neg3A_122 = arith.subf %neg3A_121, %select_n3A_120 : vector<1000x1xf32>
    %exp3A = math.exp %neg3A_122 : vector<1000x1xf32>
    %add3A_123 = arith.constant 1.000000e+00 : f32
    %add3A_124 = vector.broadcast %add3A_123 : f32 to vector<1000x1xf32>
    %add3A_125 = arith.addf %add3A_124, %exp3A : vector<1000x1xf32>
    %div3A_126 = arith.constant 1.000000e+00 : f32
    %div3A_127 = vector.broadcast %div3A_126 : f32 to vector<1000x1xf32>
    %div3A_128 = arith.divf %div3A_127, %add3A_125 : vector<1000x1xf32>
    %mul3A_129 = vector.broadcast %div3A_128 : vector<1000x1xf32> to vector<1000x128xf32>
    %mul3A_130 = arith.mulf %select_n3A_114, %mul3A_129 : vector<1000x128xf32>
    %get3A_131 = arith.constant 0 : index
    %get3A_132 = arith.constant 0 : index
    %get3A_133 = vector.load %arg6[%get3A_131, %get3A_132] : memref<1000x128xf32, #tpu.memory_space<vmem>>, vector<1000x128xf32>
    %sub3A = arith.constant 1.000000e+00 : f32
    %sub3A_134 = vector.broadcast %sub3A : f32 to vector<1000x1xf32>
    %sub3A_135 = arith.subf %sub3A_134, %div3A_128 : vector<1000x1xf32>
    %mul3A_136 = vector.broadcast %sub3A_135 : vector<1000x1xf32> to vector<1000x128xf32>
    %mul3A_137 = arith.mulf %get3A_133, %mul3A_136 : vector<1000x128xf32>
    %add3A_138 = arith.addf %mul3A_130, %mul3A_137 : vector<1000x128xf32>
    %swap3A = arith.constant 0 : index
    %swap3A_139 = arith.constant 0 : index
    %swap3A_140 = vector.load %arg11[%swap3A, %swap3A_139] : memref<1000x128xf32, #tpu.memory_space<vmem>>, vector<1000x128xf32>
    tpu.vector_store %arg11[%swap3A, %swap3A_139], %add3A_138 {strides = array<i32>} : memref<1000x128xf32, #tpu.memory_space<vmem>>, vector<1000x128xf32>,
    return
  }
  func.func @transform_0(%arg0: i32) -> (i32, i32) {
    %c0_i32 = arith.constant 0 : i32
    %c0_i32_0 = arith.constant 0 : i32
    return %arg0, %c0_i32 : i32, i32
  }
  func.func @transform_1(%arg0: i32) -> (i32, i32) {
    %c0_i32 = arith.constant 0 : i32
    %c0_i32_0 = arith.constant 0 : i32
    return %arg0, %c0_i32 : i32, i32
  }
  func.func @transform_2(%arg0: i32) -> (i32, i32) {
    %c0_i32 = arith.constant 0 : i32
    %c0_i32_0 = arith.constant 0 : i32
    return %arg0, %c0_i32 : i32, i32
  }
  func.func @transform_3(%arg0: i32) -> (i32, i32) {
    %c0_i32 = arith.constant 0 : i32
    %c0_i32_0 = arith.constant 0 : i32
    return %arg0, %c0_i32 : i32, i32
  }
  func.func @transform_4(%arg0: i32) -> (i32, i32) {
    %c0_i32 = arith.constant 0 : i32
    %c0_i32_0 = arith.constant 0 : i32
    return %arg0, %c0_i32 : i32, i32
  }
  func.func @transform_5(%arg0: i32) -> (i32, i32) {
    %c0_i32 = arith.constant 0 : i32
    %c0_i32_0 = arith.constant 0 : i32
    return %arg0, %c0_i32 : i32, i32
  }
  func.func @transform_6(%arg0: i32) -> (i32, i32) {
    %c0_i32 = arith.constant 0 : i32
    %c0_i32_0 = arith.constant 0 : i32
    %c0_i32_1 = arith.constant 0 : i32
    return %c0_i32, %c0_i32_0 : i32, i32
  }
  func.func @transform_7(%arg0: i32) -> (i32, i32) {
    %c0_i32 = arith.constant 0 : i32
    %c0_i32_0 = arith.constant 0 : i32
    %c0_i32_1 = arith.constant 0 : i32
    return %c0_i32, %c0_i32_0 : i32, i32
  }
  func.func @transform_8(%arg0: i32) -> (i32, i32) {
    %c0_i32 = arith.constant 0 : i32
    %c0_i32_0 = arith.constant 0 : i32
    %c0_i32_1 = arith.constant 0 : i32
    return %c0_i32, %c0_i32_0 : i32, i32
  }
  func.func @transform_9(%arg0: i32) -> (i32, i32) {
    %c0_i32 = arith.constant 0 : i32
    %c0_i32_0 = arith.constant 0 : i32
    %c0_i32_1 = arith.constant 0 : i32
    return %c0_i32, %c0_i32_0 : i32, i32
  }
  func.func @transform_10(%arg0: i32) -> (i32, i32) {
    %c0_i32 = arith.constant 0 : i32
    %c0_i32_0 = arith.constant 0 : i32
    return %arg0, %c0_i32 : i32, i32
  }
}

</mosaic_0001>

<sc_bundles>
// kernel: kernel.11.cloned.1.call-start
scs
__scs_entry_jumppad:
0x0: {  	(pc) =	sbr.rel $0x88, $3  }
0x1: {  	(tag) =	ssettag $0x0;
	lr =	simm.s32 $0x1  }
0x2: {  	[smem:$0x3F91] =	sst lr;
	_ =	strace $0xD0000000  }
0x3: {  	_ = 	snop  }
0x4: {  	_ = 	snop  }
0x5: {  	_ = 	snop  }
0x6: {  	_ = 	snop  }
0x7: {  	_ = 	snop  }
__scs_overlays_trampoline_lowered:
0x8: {  	[smem:$0x3FA0] =	sst s0  }
0x9: {  	[smem:$0x3FA1] =	sst s1  }
0xa: {  	[smem:$0x3FA2] =	sst s2  }
0xb: {  	[smem:$0x3FA3] =	sst s3  }
0xc: {  	[smem:$0x3FA4] =	sst s4  }
0xd: {  	[smem:$0x3FA5] =	sst s5  }
0xe: {  	[smem:$0x3FA6] =	sst s6  }
0xf: {  	[smem:$0x3FA7] =	sst s7  }
0x10: {  	[smem:$0x3FA8] =	sst s8  }
0x11: {  	[smem:$0x3FA9] =	sst s9;
	s0 =	simm.s32 @!p0 $0x0  }
0x12: {  	s1 =	sld [smem:$0x3F8F];
	s0 =	simm.s32 @p0 $0x1  }
0x13: {  	[smem:$0x3FAA] =	sst s0;
	s0 =	simm.s32 @!p1 $0x0  }
0x14: {  	s2 =	sld [smem:$0x3F8E];
	s0 =	simm.s32 @p1 $0x1  }
0x15: {  	[smem:$0x3FAB] =	sst s0;
	s0 =	simm.s32 @!p2 $0x0  }
0x16: {  	s3 =	sld [smem:$0x3FDB];
	s0 =	simm.s32 @p2 $0x1  }
0x17: {  	s4 =	simm.s32 $0x1BF5;
	[smem:$0x3FAD] =	sst s0  }
0x18: {  	s0 =	sld [smem:$0x3F90];
	_ =	swait.ge [sflag:s4], $0x0  }
0x19: {  	s7 =	sld [smem:$0x3F91]  }
0x1a: {  	s8 =	sadd.s32 $0xFFFFE003, lr  }
0x1b: {  	s9 =	sadd.s32 $0xFFFFFEF7, lr;
	s5 =	simm.s32 $0xFFFFFFFF;
	p2 =	slt.u32 s8, $0xFFFFF086  }
0x1c: {  	p1 =	slt.u32 s9, $0xF7A;
	s5 =	simm.s32 @!p2 $0x0  }
0x1d: {  	s5 =	simm.s32 @p1 $0x1;
	p0 =	seq.s32 s7, s2  }
0x1e: {  	s7 =	smul.u32 @!p0 $0xF7A, s2;
	p2 =	seq.s32 @!p0 s5, $0x0  }
0x1f: {  	s9 =	smul.u32 $0xF7A, s1;
	s8 =	simm.s32 @!p0 $0x1BF5;
	p2 =	por !p2, p0  }
0x20: {  	[sflag:s8] =	ssyncset.s32 @!p0 $0xFFFFF086;
	s6 =	sadd.s32 @!p0 s3, s7;
	s7 =	simm.s32 @!p0 $0x108  }
0x21: {  	s3 =	sadd.s32 s3, s9;
	s6 =	sadd.s32 @!p0 $0x88, s6;
	s7 =	simm.s32 @p2 $0x1082  }
0x22: {  	[simem:s7], [sflag:s8] =	dma.local @!p0 [hbm:s6], $0xF7A  }
0x23: {  	s9 =	sor.u32 $0xD0000000, s2;
	s6 =	simm.s32 $0x108;
	_ =	swait.ge @!p0 [sflag:s8], $0x0  }
0x24: {  	s3 =	sadd.s32 $0x88, s3;
	s6 =	simm.s32 @!p1 $0x1082;
	[sflag:s4] =	ssyncset.s32 $0xFFFFF086  }
0x25: {  	[simem:s6], [sflag:s4] =	dma.local [hbm:s3], $0xF7A  }
0x26: {  	[smem:$0x3F91] =	sst s1;
	(tag) =	ssettag s2;
	_ =	strace s9  }
0x27: {  	s1 =	sld [smem:$0x3FA1]  }
0x28: {  	s2 =	sld [smem:$0x3FA2]  }
0x29: {  	s4 =	sld [smem:$0x3FA4]  }
0x2a: {  	p0 =	seq.s32 s5, $0x0;
	s5 =	sld [smem:$0x3FA5]  }
0x2b: {  	s6 =	sld [smem:$0x3FA6]  }
0x2c: {  	s7 =	sld [smem:$0x3FA7]  }
0x2d: {  	s3 =	simm.s32 $0x108;
	s8 =	sld [smem:$0x3FA8]  }
0x2e: {  	s3 =	simm.s32 @!p0 $0x1082;
	s9 =	sld [smem:$0x3FA9]  }
0x2f: {  	lr =	sadd.s32 s0, s3;
	s0 =	sld [smem:$0x3FA0]  }
0x30: {  	s3 =	sld [smem:$0x3FA3]  }
0x31: {  	[smem:$0x3FAC] =	sst s10  }
0x32: {  	s10 =	sld [smem:$0x3FAA];
	_ =	sdelay $0x3  }
0x33: {  	p0 =	seq.s32 s10, $0x1;
	s10 =	sld [smem:$0x3FAC];
	_ =	sdelay $0x3  }
0x34: {  	[smem:$0x3FAC] =	sst s10  }
0x35: {  	s10 =	sld [smem:$0x3FAB];
	_ =	sdelay $0x3  }
0x36: {  	p1 =	seq.s32 s10, $0x1;
	s10 =	sld [smem:$0x3FAC];
	_ =	sdelay $0x3  }
0x37: {  	[smem:$0x3FAC] =	sst s10  }
0x38: {  	s10 =	sld [smem:$0x3FAD]  }
0x39: {  	_ = 	snop;
	(pc) =	sbr.ind lr, $3  }
0x3a: {  	_ = 	snop  }
0x3b: {  	_ = 	snop  }
0x3c: {  	p2 =	seq.s32 s10, $0x1;
	s10 =	sld [smem:$0x3FAC]  }
0x3d: {  	_ =	shalt  }
0x3e: {  	_ =	shalt  }
0x3f: {  	_ =	shalt  }
0x40: {  	_ =	shalt  }
0x41: {  	_ =	shalt  }
0x42: {  	_ =	shalt  }
0x43: {  	_ =	shalt  }
0x44: {  	_ =	shalt  }
0x45: {  	_ =	shalt  }
0x46: {  	_ =	shalt  }
0x47: {  	_ =	shalt  }
0x48: {  	_ =	shalt  }
0x49: {  	_ =	shalt  }
0x4a: {  	_ =	shalt  }
0x4b: {  	_ =	shalt  }
0x4c: {  	_ =	shalt  }
0x4d: {  	_ =	shalt  }
0x4e: {  	_ =	shalt  }
0x4f: {  	_ =	shalt  }
0x50: {  	_ =	shalt  }
0x51: {  	_ =	shalt  }
0x52: {  	_ =	shalt  }
0x53: {  	_ =	shalt  }
0x54: {  	_ =	shalt  }
0x55: {  	_ =	shalt  }
0x56: {  	_ =	shalt  }
0x57: {  	_ =	shalt  }
0x58: {  	_ =	shalt  }
0x59: {  	_ =	shalt  }
0x5a: {  	_ =	shalt  }
0x5b: {  	_ =	shalt  }
0x5c: {  	_ =	shalt  }
0x5d: {  	_ =	shalt  }
0x5e: {  	_ =	shalt  }
0x5f: {  	_ =	shalt  }
0x60: {  	_ =	shalt  }
0x61: {  	_ =	shalt  }
0x62: {  	_ =	shalt  }
0x63: {  	_ =	shalt  }
0x64: {  	_ =	shalt  }
0x65: {  	_ =	shalt  }
0x66: {  	_ =	shalt  }
0x67: {  	_ =	shalt  }
0x68: {  	_ =	shalt  }
0x69: {  	_ =	shalt  }
0x6a: {  	_ =	shalt  }
0x6b: {  	_ =	shalt  }
0x6c: {  	_ =	shalt  }
0x6d: {  	_ =	shalt  }
0x6e: {  	_ =	shalt  }
0x6f: {  	_ =	shalt  }
0x70: {  	_ =	shalt  }
0x71: {  	_ =	shalt  }
0x72: {  	_ =	shalt  }
0x73: {  	_ =	shalt  }
0x74: {  	_ =	shalt  }
0x75: {  	_ =	shalt  }
0x76: {  	_ =	shalt  }
0x77: {  	_ =	shalt  }
0x78: {  	_ =	shalt  }
0x79: {  	_ =	shalt  }
0x7a: {  	_ =	shalt  }
0x7b: {  	_ =	shalt  }
0x7c: {  	_ =	shalt  }
0x7d: {  	_ =	shalt  }
0x7e: {  	_ =	shalt  }
0x7f: {  	_ =	shalt  }
0x80: {  	_ =	shalt  }
0x81: {  	_ =	shalt  }
0x82: {  	_ =	shalt  }
0x83: {  	_ =	shalt  }
0x84: {  	_ =	shalt  }
0x85: {  	_ =	shalt  }
0x86: {  	_ =	shalt  }
0x87: {  	_ =	shalt  }
.Lfunc_end0:
.L_simem_size_0:
called_computation.1_lowered:
.L_overlay_start_0:
0x88: {  	s2 =	sld [smem:$0x3FD9]  }
0x89: {  	s3 =	sld [smem:$0x3FFE];
	_ =	sdelay $0x1  }
0x8a: {  	s1 =	srdreg.scid  }
0x8b: {  	s0 =	sand.u32 $0x1, s1  }
0x8c: {  	s16 =	sshll.u32 s0, $0xA;
	s2 =	sadd.s32 s3, s2  }
0x8d: {  	s2 =	sadd.s32 s2, s16  }
0x8e: {  	[smem:$0x3FB8] =	sst s2  }
0x8f: {  	_ = 	snop  }
0x90: {  	(tm) =	ssettm $0x1  }
0x91: {  	s17 =	sld [smem:$0x3FFB];
	_ =	sdelay $0x3  }
0x92: {  	_ =	strace s17  }
0x93: {  	s2 =	sld [smem:$0x3FFC];
	_ =	sdelay $0x3  }
0x94: {  	_ =	strace s2  }
0x95: {  	s2 =	sld [smem:$0x3FFD];
	_ =	sdelay $0x3  }
0x96: {  	_ =	strace s2  }
0x97: {  	_ =	strace $0x8FFFFFFF  }
0x98: {  	s18 =	sld [smem:$0x3FDB];
	_ =	sdelay $0x1  }
0x99: {  	s19 =	simm.s32 $_scs_section_size  }
0x9a: {  	s4 =	simm.s32 $_size__tile_overlayer_lowered;
	s5 =	simm.s32 $_tile_overlayer_lowered  }
0x9b: {  	s22 =	simm.s32 $0x1BFF;
	s21 =	sshll.u32 s5, $0x1;
	s2 =	sadd.s32 s19, s18  }
0x9c: {  	s6 =	simm.s32 $0x0;
	s20 =	sshll.u32 s4, $0x1;
	s4 =	sadd.s32 s21, s2  }
0x9d: {  	[timem:s6], [sflag:s22] =	dma.local [hbm:s4], s20  }
0x9e: {  	_ =	swait.ge [sflag:s22], s20  }
0x9f: {  	s3 =	ssub.s32 $0x0, s20;
	[sflag:s22] =	ssyncset.done $0x0  }
0xa0: {  	[sflag:s22] =	ssyncadd.s32 s3;
	_ =	sdelay $0x1  }
0xa1: {  	s23 =	simm.s32 $0x1B8B  }
0xa2: {  	_ =	swait.ge [sflag:s23], $0x1  }
0xa3: {  	[sflag:s23] =	ssyncset.done $0x0  }
0xa4: {  	s25 =	simm.s32 $0x1B8E;
	s24 =	sld [smem:$0x3FFE];
	[sflag:s23] =	ssyncadd.s32 $0xFFFFFFFF  }
0xa5: {  	s26 =	simm.s32 $execute0_lowered;
	[smem:$0x3FD2] =	sst s25  }
0xa6: {  	s4 =	sshll.u32 s26, $0x1;
	_ =	strace $0x80000049;
	[dreg:$0x1] =	wrdreg $0xFFFFFFFF  }
0xa7: {  	s28 =	simm.s32 $_size_execute0_lowered;
	s2 =	sadd.s32 s2, s4;
	[dreg:$0x0] =	wrdreg $0x0  }
0xa8: {  	s4 =	sshll.u32 s28, $0x1;
	[dreg:$0x2] =	wrdreg s2  }
0xa9: {  	[dreg:$0x3] =	wrdreg s4  }
0xaa: {  	[dreg:$0x4] =	wrdreg $0xC0  }
0xab: {  	_ =	task [dreg:s6], $0x5FFFF  }
0xac: {  	[dreg:$0x1] =	wrdreg $0xFFFFFFFF  }
0xad: {  	[dreg:$0x0] =	wrdreg $0x60  }
0xae: {  	[dreg:$0x2] =	wrdreg s24  }
0xaf: {  	[dreg:$0x3] =	wrdreg $0x81000  }
0xb0: {  	[dreg:$0x4] =	wrdreg $0x9  }
0xb1: {  	_ =	task.clear_ibuf [dreg:s6], $0x5FFFF;
	_ =	strace $0x90000049  }
0xb2: {  	s29 =	simm.s32 $0x9;
	_ =	strace $0x8000004B  }
0xb3: {  	_ =	swait.ge [sflag:s29], $0x1  }
0xb4: {  	[sflag:s29] =	ssyncadd.s32 $0xFFFFFFFF  }
0xb5: {  	_ =	strace $0x9000004B  }
0xb6: {  	_ =	sfence  }
0xb7: {  	s30 =	sld [smem:$0x0];
	_ =	sdelay $0x2  }
0xb8: {  	s31 =	sshll.u32 s1, $0xD;
	s1 =	sshrl.u32 s1, $0x2  }
0xb9: {  	s3 =	sand.u32 $0x4000, s31;
	s1 =	sadd.s32 s1, s30  }
0xba: {  	s0 =	sor.u32 s3, s0;
	s1 =	sshll.u32 s1, $0x11  }
0xbb: {  	s0 =	sor.u32 s1, s0  }
0xbc: {  	s0 =	sadd.s32 $0x8F2B, s0  }
0xbd: {  	[sflag:s0] =	ssyncadd.remote.s32 $0x1  }
0xbe: {  	_ =	sfence.sel $0xFFFF  }
0xbf: {  	[dreg:$0x0] =	wrdreg $0xFFFFFFFF;
	(pc) =	sbr.abs _section_cstart, $3  }
0xc0: {  	[dreg:$0x1] =	wrdreg $0xFFFFFFFF  }
0xc1: {  	_ =	task.clear_ibuf [dreg:s6], $0x2FFFF;
	_ =	strace $0x9FFFFFFF  }
0xc2: {  	(tm) =	ssettm $0x7FFFFFFF  }
0xc3: {  	_ =	shalt  }
tec
execute0_lowered:
.L_overlay_start_1:
0x0: {  	(tag) =	ssettag $0x1  }
0x1: {  	s5 =	rddreg [dreg:$0x0]  }
0x2: {  	s1 =	rddreg [dreg:$0x1]  }
0x3: {  	s0 =	rddreg [dreg:$0x2];
	s9 =	stileid.u32  }
0x4: {  	s4 =	srdreg.scid;
	s3 =	smul.u32 $0x50000, s9  }
0x5: {  	s2 =	simm.s32 $0x0;
	s6 =	sand.u32 $0x1, s4;
	s13 =	smul.u32 $0xA00, s9  }
0x6: {  	s14 =	simm.s32 $0x0;
	[smem:$0x7FF] =	sst s2;
	s8 =	smul.u32 $0x27400, s6  }
0x7: {  	s4 =	sadd.s32 $0x5600, s5;
	p0 =	sne.s32 s9, $0x0;
	s11 =	smul.u32 $0x28000, s6  }
0x8: {  	_ =	strace $0x8000004A;
	s10 =	ssub.s32 $0x2, s6;
	s31 =	smul.u32 $0x500, s6  }
0x9: {  	s9 =	sshrl.u32 @!p0 s1, $0x3;
	s7 =	sadd.s32 s3, s5;
	s12 =	sshrl.u32 s10, $0x1  }
0xa: {  	s3 =	sadd.s32 $0x148000, s5;
	s5 =	sadd.s32 s8, s5;
	s30 =	ssub.s32 s10, s12  }
0xb: {  	s7 =	sadd.s32 s11, s7;
	s8 =	sadd.s32 s31, s13;
	s10 =	simm.s32 $0x1  }
0xc: {  	s11 =	simm.s32 $0x100;
	s12 =	simm.s32 $0x80;
	s13 =	simm.s32 $0x4100  }
0xd: {  	s5 =	sadd.s32 $0x2CA00, s5;
	s6 =	smax.u32 s30, $0x1;
	s7 =	sadd.s32 $0x1176600, s7  }
.LBB2_1:
0xe: {  	s15 =	simm.s32 @!p0 $0x1C01  }
0xf: {  	[spmem:s9], [sflag:s15] =	dma.local @!p0 [hbm:s4], $0x27400  }
0x10: {  	s15 =	simm.s32 @!p0 $0x1  }
0x11: {  	_ =	swait.ge @!p0 [sflag:s15], $0x27400  }
0x12: {  	s16 =	sadd.s32 $0x0, s8;
	s17 =	sand.u32 $0x60, s2;
	[sflag:s15] =	ssyncset.done @!p0 $0x0  }
0x13: {  	s29 =	sand.u32 $0xFFFFF80, s16;
	s30 =	sadd.s32 s3, s17;
	[sflag:s15] =	ssyncadd.s32 @!p0 $0xFFFD8C00  }
0x14: {  	s15 =	sadd.s32 s29, s30;
	[bflag:$0x0] =	sbarrier.arrive $0xFFFF  }
0x15: {  	[tilespmem:s2], [sflag:$0x1] =	stream.linear.gather [hbm4b:s15+s2], $0x100, $0x38;
	[tilespmem:$0x1BB00] =	vst v63  }
0x16: {  	_ =	swait.ge [sflag:s10], $0x100  }
0x17: {  	[sflag:s10] =	ssyncset.done $0x0  }
0x18: {  	[sflag:s10] =	ssyncadd.s32 $0xFFFFFF00  }
0x19: {  	[tilespmem:s11], [sflag:$0x1] =	stream.linear.gather [hbm4b:s7+s2], $0x8000, $0x38;
	[tilespmem:$0x1BB00] =	vst v63  }
0x1a: {  	_ =	swait.ge [sflag:s10], $0x8000  }
0x1b: {  	[sflag:s10] =	ssyncset.done $0x0  }
0x1c: {  	[sflag:s10] =	ssyncadd.s32 $0xFFFF8000  }
0x1d: {  	[spmem:s1] =	stream.indirect.scatter.add.f32 [tilespmem:s11], [sflag:$0x1], $0x80, s2, s12, $0xb8;
	[tilespmem:$0x1BB00] =	vst v63  }
0x1e: {  	_ =	swait.ge [sflag:s10], $0x4000  }
0x1f: {  	s31 =	simm.s32 $0x20;
	[sflag:s10] =	ssyncset.done $0x0  }
0x20: {  	s18 =	sadd.s32 $0x20, s8;
	s16 =	simm.s32 $0x40;
	[sflag:s10] =	ssyncadd.s32 $0xFFFFC000  }
0x21: {  	[spmem:s1] =	stream.indirect.scatter.add.f32 [tilespmem:s13], [sflag:$0x1], $0x80, s12, s12, $0xb8;
	[tilespmem:$0x1BB00] =	vst v63  }
0x22: {  	s19 =	sand.u32 $0x60, s31;
	s17 =	sand.u32 $0xFFFFF80, s18;
	_ =	swait.ge [sflag:s10], $0x4000  }
0x23: {  	s18 =	sadd.s32 s3, s19;
	s15 =	sadd.s32 $0x1000, s7;
	[sflag:s10] =	ssyncset.done $0x0  }
.LBB2_2:
0x24: {  	s17 =	sadd.s32 s17, s18  }
0x25: {  	[sflag:s10] =	ssyncadd.s32 $0xFFFFC000;
	s18 =	smov.u32 s16;
	s19 =	sadd.s32 $0x20, s16  }
0x26: {  	[tilespmem:s2], [sflag:$0x1] =	stream.linear.gather [hbm4b:s17+s2], $0x100, $0x38;
	[tilespmem:$0x1BB00] =	vst v63  }
0x27: {  	p1 =	sne.s32 s16, $0x4E0;
	_ =	swait.ge [sflag:s10], $0x100  }
0x28: {  	[sflag:s10] =	ssyncset.done $0x0  }
0x29: {  	[sflag:s10] =	ssyncadd.s32 $0xFFFFFF00  }
0x2a: {  	[tilespmem:s11], [sflag:$0x1] =	stream.linear.gather [hbm4b:s15+s2], $0x8000, $0x38;
	[tilespmem:$0x1BB00] =	vst v63  }
0x2b: {  	_ =	swait.ge [sflag:s10], $0x8000  }
0x2c: {  	[sflag:s10] =	ssyncset.done $0x0  }
0x2d: {  	[sflag:s10] =	ssyncadd.s32 $0xFFFF8000  }
0x2e: {  	[spmem:s1] =	stream.indirect.scatter.add.f32 [tilespmem:s11], [sflag:$0x1], $0x80, s2, s12, $0xb8;
	[tilespmem:$0x1BB00] =	vst v63  }
0x2f: {  	_ =	swait.ge [sflag:s10], $0x4000  }
.Ltmp0:
0x30: {  	[sflag:s10] =	ssyncset.done $0x0;
	(pc) =	sbr.rel @p1 .LBB2_2-.Ltmp0, $4  }
0x31: {  	s16 =	sadd.s32 s18, s8;
	s15 =	sadd.s32 $0x1000, s15;
	[sflag:s10] =	ssyncadd.s32 $0xFFFFC000  }
0x32: {  	[spmem:s1] =	stream.indirect.scatter.add.f32 [tilespmem:s13], [sflag:$0x1], $0x80, s12, s12, $0xb8;
	[tilespmem:$0x1BB00] =	vst v63  }
0x33: {  	s18 =	sand.u32 $0x60, s18;
	s17 =	sand.u32 $0xFFFFF80, s16;
	_ =	swait.ge [sflag:s10], $0x4000  }
0x34: {  	s18 =	sadd.s32 s3, s18;
	s16 =	smov.u32 s19;
	[sflag:s10] =	ssyncset.done $0x0  }
0x35: {  	s16 =	sadd.s32 s17, s18;
	[sflag:s10] =	ssyncadd.s32 $0xFFFFC000  }
0x36: {  	[tilespmem:s2], [sflag:$0x1] =	stream.linear.gather [hbm4b:s16+s2], $0x100, $0x38;
	[tilespmem:$0x1BB00] =	vst v63  }
0x37: {  	_ =	swait.ge [sflag:s10], $0x100  }
0x38: {  	[sflag:s10] =	ssyncset.done $0x0  }
0x39: {  	[sflag:s10] =	ssyncadd.s32 $0xFFFFFF00  }
0x3a: {  	[tilespmem:s11], [sflag:$0x1] =	stream.linear.gather [hbm4b:s15+s2], $0x8000, $0x38;
	[tilespmem:$0x1BB00] =	vst v63  }
0x3b: {  	_ =	swait.ge [sflag:s10], $0x8000  }
0x3c: {  	[sflag:s10] =	ssyncset.done $0x0  }
0x3d: {  	[sflag:s10] =	ssyncadd.s32 $0xFFFF8000  }
0x3e: {  	[spmem:s1] =	stream.indirect.scatter.add.f32 [tilespmem:s11], [sflag:$0x1], $0x80, s2, s12, $0xb8;
	[tilespmem:$0x1BB00] =	vst v63  }
0x3f: {  	_ =	swait.ge [sflag:s10], $0x4000  }
0x40: {  	[sflag:s10] =	ssyncset.done $0x0  }
0x41: {  	[sflag:s10] =	ssyncadd.s32 $0xFFFFC000  }
0x42: {  	[spmem:s1] =	stream.indirect.scatter.add.f32 [tilespmem:s13], [sflag:$0x1], $0x80, s12, s12, $0xb8;
	[tilespmem:$0x1BB00] =	vst v63  }
0x43: {  	_ =	swait.ge [sflag:s10], $0x4000  }
0x44: {  	[sflag:s10] =	ssyncset.done $0x0  }
0x45: {  	s14 =	sadd.s32 $0x1, s14;
	[sflag:s10] =	ssyncadd.s32 $0xFFFFC000  }
0x46: {  	p1 =	sne.s32 s14, s6;
	s15 =	simm.s32 @!p0 $0x1C01;
	[bflag:$0x0] =	sbarrier.arrive $0xFFFF  }
0x47: {  	[hbm:s5], [sflag:s15] =	dma.local @!p0 [spmem:s9], $0x27400  }
.Ltmp1:
0x48: {  	_ = 	snop;
	(pc) =	sbr.rel @p1 .LBB2_1-.Ltmp1, $4  }
0x49: {  	s15 =	simm.s32 @!p0 $0x1  }
0x4a: {  	_ =	swait.ge @!p0 [sflag:s15], $0x27400  }
0x4b: {  	[sflag:s15] =	ssyncset.done @!p0 $0x0  }
0x4c: {  	[sflag:s15] =	ssyncadd.s32 @!p0 $0xFFFD8C00  }
0x4d: {  	_ =	sfence.sel $0x180000  }
0x4e: {  	[bflag:$0x0] =	sbarrier.arrive $0xFFFF  }
0x4f: {  	_ =	strace $0x9000004A  }
0x50: {  	s0 =	sadd.s32 @!p0 $0x100000, s0;
	[bflag:$0x2] =	sbarrier.arrive $0xFFFF  }
0x51: {  	[sflag:s0] =	ssyncadd.tile.s32 @!p0 $0x1;
	_ =	shalt  }
.Lfunc_end2:
_tile_overlayer_lowered:
.L_overlay_start_2:
0x52: {  	(tag) =	ssettag $0x2  }
0x53: {  	s0 =	rddreg [dreg:$0x0];
	s2 =	stileid.u32  }
0x54: {  	s1 =	rddreg [dreg:$0x1];
	p0 =	sne.s32 s2, $0x0  }
0x55: {  	s3 =	rddreg [dreg:$0x2];
	[bflag:$0x3] =	sbarrier.arrive $0xFFFF;
	s2 =	simm.s32 @!p0 $0x1C01  }
0x56: {  	[timem:s3], [sflag:s2] =	dma.local @!p0 [hbm:s0], s1  }
0x57: {  	s0 =	simm.s32 @!p0 $0x1  }
0x58: {  	_ =	swait.ge @!p0 [sflag:s0], s1  }
0x59: {  	s1 =	ssub.s32 @!p0 $0x0, s1;
	[sflag:s0] =	ssyncset.done @!p0 $0x0  }
0x5a: {  	[sflag:s0] =	ssyncadd.s32 @!p0 s1  }
0x5b: {  	[bflag:$0x3] =	sbarrier.arrive $0xFFFF  }
0x5c: {  	_ =	shalt  }

// kernel: kernel.14.cloned.1.call-start
scs
__scs_entry_jumppad:
0x0: {  	(pc) =	sbr.rel $0x88, $3  }
0x1: {  	(tag) =	ssettag $0x0;
	lr =	simm.s32 $0x1  }
0x2: {  	[smem:$0x3F91] =	sst lr;
	_ =	strace $0xD0000000  }
0x3: {  	_ = 	snop  }
0x4: {  	_ = 	snop  }
0x5: {  	_ = 	snop  }
0x6: {  	_ = 	snop  }
0x7: {  	_ = 	snop  }
__scs_overlays_trampoline_lowered:
0x8: {  	[smem:$0x3FA0] =	sst s0  }
0x9: {  	[smem:$0x3FA1] =	sst s1  }
0xa: {  	[smem:$0x3FA2] =	sst s2  }
0xb: {  	[smem:$0x3FA3] =	sst s3  }
0xc: {  	[smem:$0x3FA4] =	sst s4  }
0xd: {  	[smem:$0x3FA5] =	sst s5  }
0xe: {  	[smem:$0x3FA6] =	sst s6  }
0xf: {  	[smem:$0x3FA7] =	sst s7  }
0x10: {  	[smem:$0x3FA8] =	sst s8  }
0x11: {  	[smem:$0x3FA9] =	sst s9;
	s0 =	simm.s32 @!p0 $0x0  }
0x12: {  	s1 =	sld [smem:$0x3F8F];
	s0 =	simm.s32 @p0 $0x1  }
0x13: {  	[smem:$0x3FAA] =	sst s0;
	s0 =	simm.s32 @!p1 $0x0  }
0x14: {  	s2 =	sld [smem:$0x3F8E];
	s0 =	simm.s32 @p1 $0x1  }
0x15: {  	[smem:$0x3FAB] =	sst s0;
	s0 =	simm.s32 @!p2 $0x0  }
0x16: {  	s3 =	sld [smem:$0x3FDB];
	s0 =	simm.s32 @p2 $0x1  }
0x17: {  	s4 =	simm.s32 $0x1BF5;
	[smem:$0x3FAD] =	sst s0  }
0x18: {  	s0 =	sld [smem:$0x3F90];
	_ =	swait.ge [sflag:s4], $0x0  }
0x19: {  	s7 =	sld [smem:$0x3F91]  }
0x1a: {  	s8 =	sadd.s32 $0xFFFFE003, lr  }
0x1b: {  	s9 =	sadd.s32 $0xFFFFFEF7, lr;
	s5 =	simm.s32 $0xFFFFFFFF;
	p2 =	slt.u32 s8, $0xFFFFF086  }
0x1c: {  	p1 =	slt.u32 s9, $0xF7A;
	s5 =	simm.s32 @!p2 $0x0  }
0x1d: {  	s5 =	simm.s32 @p1 $0x1;
	p0 =	seq.s32 s7, s2  }
0x1e: {  	s7 =	smul.u32 @!p0 $0xF7A, s2;
	p2 =	seq.s32 @!p0 s5, $0x0  }
0x1f: {  	s9 =	smul.u32 $0xF7A, s1;
	s8 =	simm.s32 @!p0 $0x1BF5;
	p2 =	por !p2, p0  }
0x20: {  	[sflag:s8] =	ssyncset.s32 @!p0 $0xFFFFF086;
	s6 =	sadd.s32 @!p0 s3, s7;
	s7 =	simm.s32 @!p0 $0x108  }
0x21: {  	s3 =	sadd.s32 s3, s9;
	s6 =	sadd.s32 @!p0 $0x88, s6;
	s7 =	simm.s32 @p2 $0x1082  }
0x22: {  	[simem:s7], [sflag:s8] =	dma.local @!p0 [hbm:s6], $0xF7A  }
0x23: {  	s9 =	sor.u32 $0xD0000000, s2;
	s6 =	simm.s32 $0x108;
	_ =	swait.ge @!p0 [sflag:s8], $0x0  }
0x24: {  	s3 =	sadd.s32 $0x88, s3;
	s6 =	simm.s32 @!p1 $0x1082;
	[sflag:s4] =	ssyncset.s32 $0xFFFFF086  }
0x25: {  	[simem:s6], [sflag:s4] =	dma.local [hbm:s3], $0xF7A  }
0x26: {  	[smem:$0x3F91] =	sst s1;
	(tag) =	ssettag s2;
	_ =	strace s9  }
0x27: {  	s1 =	sld [smem:$0x3FA1]  }
0x28: {  	s2 =	sld [smem:$0x3FA2]  }
0x29: {  	s4 =	sld [smem:$0x3FA4]  }
0x2a: {  	p0 =	seq.s32 s5, $0x0;
	s5 =	sld [smem:$0x3FA5]  }
0x2b: {  	s6 =	sld [smem:$0x3FA6]  }
0x2c: {  	s7 =	sld [smem:$0x3FA7]  }
0x2d: {  	s3 =	simm.s32 $0x108;
	s8 =	sld [smem:$0x3FA8]  }
0x2e: {  	s3 =	simm.s32 @!p0 $0x1082;
	s9 =	sld [smem:$0x3FA9]  }
0x2f: {  	lr =	sadd.s32 s0, s3;
	s0 =	sld [smem:$0x3FA0]  }
0x30: {  	s3 =	sld [smem:$0x3FA3]  }
0x31: {  	[smem:$0x3FAC] =	sst s10  }
0x32: {  	s10 =	sld [smem:$0x3FAA];
	_ =	sdelay $0x3  }
0x33: {  	p0 =	seq.s32 s10, $0x1;
	s10 =	sld [smem:$0x3FAC];
	_ =	sdelay $0x3  }
0x34: {  	[smem:$0x3FAC] =	sst s10  }
0x35: {  	s10 =	sld [smem:$0x3FAB];
	_ =	sdelay $0x3  }
0x36: {  	p1 =	seq.s32 s10, $0x1;
	s10 =	sld [smem:$0x3FAC];
	_ =	sdelay $0x3  }
0x37: {  	[smem:$0x3FAC] =	sst s10  }
0x38: {  	s10 =	sld [smem:$0x3FAD]  }
0x39: {  	_ = 	snop;
	(pc) =	sbr.ind lr, $3  }
0x3a: {  	_ = 	snop  }
0x3b: {  	_ = 	snop  }
0x3c: {  	p2 =	seq.s32 s10, $0x1;
	s10 =	sld [smem:$0x3FAC]  }
0x3d: {  	_ =	shalt  }
0x3e: {  	_ =	shalt  }
0x3f: {  	_ =	shalt  }
0x40: {  	_ =	shalt  }
0x41: {  	_ =	shalt  }
0x42: {  	_ =	shalt  }
0x43: {  	_ =	shalt  }
0x44: {  	_ =	shalt  }
0x45: {  	_ =	shalt  }
0x46: {  	_ =	shalt  }
0x47: {  	_ =	shalt  }
0x48: {  	_ =	shalt  }
0x49: {  	_ =	shalt  }
0x4a: {  	_ =	shalt  }
0x4b: {  	_ =	shalt  }
0x4c: {  	_ =	shalt  }
0x4d: {  	_ =	shalt  }
0x4e: {  	_ =	shalt  }
0x4f: {  	_ =	shalt  }
0x50: {  	_ =	shalt  }
0x51: {  	_ =	shalt  }
0x52: {  	_ =	shalt  }
0x53: {  	_ =	shalt  }
0x54: {  	_ =	shalt  }
0x55: {  	_ =	shalt  }
0x56: {  	_ =	shalt  }
0x57: {  	_ =	shalt  }
0x58: {  	_ =	shalt  }
0x59: {  	_ =	shalt  }
0x5a: {  	_ =	shalt  }
0x5b: {  	_ =	shalt  }
0x5c: {  	_ =	shalt  }
0x5d: {  	_ =	shalt  }
0x5e: {  	_ =	shalt  }
0x5f: {  	_ =	shalt  }
0x60: {  	_ =	shalt  }
0x61: {  	_ =	shalt  }
0x62: {  	_ =	shalt  }
0x63: {  	_ =	shalt  }
0x64: {  	_ =	shalt  }
0x65: {  	_ =	shalt  }
0x66: {  	_ =	shalt  }
0x67: {  	_ =	shalt  }
0x68: {  	_ =	shalt  }
0x69: {  	_ =	shalt  }
0x6a: {  	_ =	shalt  }
0x6b: {  	_ =	shalt  }
0x6c: {  	_ =	shalt  }
0x6d: {  	_ =	shalt  }
0x6e: {  	_ =	shalt  }
0x6f: {  	_ =	shalt  }
0x70: {  	_ =	shalt  }
0x71: {  	_ =	shalt  }
0x72: {  	_ =	shalt  }
0x73: {  	_ =	shalt  }
0x74: {  	_ =	shalt  }
0x75: {  	_ =	shalt  }
0x76: {  	_ =	shalt  }
0x77: {  	_ =	shalt  }
0x78: {  	_ =	shalt  }
0x79: {  	_ =	shalt  }
0x7a: {  	_ =	shalt  }
0x7b: {  	_ =	shalt  }
0x7c: {  	_ =	shalt  }
0x7d: {  	_ =	shalt  }
0x7e: {  	_ =	shalt  }
0x7f: {  	_ =	shalt  }
0x80: {  	_ =	shalt  }
0x81: {  	_ =	shalt  }
0x82: {  	_ =	shalt  }
0x83: {  	_ =	shalt  }
0x84: {  	_ =	shalt  }
0x85: {  	_ =	shalt  }
0x86: {  	_ =	shalt  }
0x87: {  	_ =	shalt  }
.Lfunc_end0:
.L_simem_size_0:
called_computation.2_lowered:
.L_overlay_start_0:
0x88: {  	s2 =	sld [smem:$0x3FD9]  }
0x89: {  	s3 =	sld [smem:$0x3FFE];
	_ =	sdelay $0x1  }
0x8a: {  	s1 =	srdreg.scid  }
0x8b: {  	s0 =	sand.u32 $0x1, s1  }
0x8c: {  	s17 =	sshll.u32 s0, $0xA;
	s2 =	sadd.s32 s3, s2  }
0x8d: {  	s2 =	sadd.s32 s2, s17  }
0x8e: {  	[smem:$0x3FB8] =	sst s2  }
0x8f: {  	_ = 	snop  }
0x90: {  	(tm) =	ssettm $0x1  }
0x91: {  	s18 =	sld [smem:$0x3FFB];
	_ =	sdelay $0x3  }
0x92: {  	_ =	strace s18  }
0x93: {  	s2 =	sld [smem:$0x3FFC];
	_ =	sdelay $0x3  }
0x94: {  	_ =	strace s2  }
0x95: {  	s2 =	sld [smem:$0x3FFD];
	_ =	sdelay $0x3  }
0x96: {  	_ =	strace s2  }
0x97: {  	_ =	strace $0x8FFFFFFF  }
0x98: {  	s19 =	sld [smem:$0x3FDB];
	_ =	sdelay $0x1  }
0x99: {  	s20 =	simm.s32 $_scs_section_size  }
0x9a: {  	s4 =	simm.s32 $_size__tile_overlayer_lowered;
	s5 =	simm.s32 $_tile_overlayer_lowered  }
0x9b: {  	s6 =	simm.s32 $0x1BFF;
	s21 =	sshll.u32 s5, $0x1;
	s3 =	sadd.s32 s20, s19  }
0x9c: {  	s22 =	simm.s32 $0x0;
	s4 =	sshll.u32 s4, $0x1;
	s5 =	sadd.s32 s21, s3  }
0x9d: {  	[timem:s22], [sflag:s6] =	dma.local [hbm:s5], s4  }
0x9e: {  	_ =	swait.ge [sflag:s6], s4  }
0x9f: {  	s4 =	ssub.s32 $0x0, s4;
	[sflag:s6] =	ssyncset.done $0x0  }
0xa0: {  	[sflag:s6] =	ssyncadd.s32 s4;
	_ =	sdelay $0x1  }
0xa1: {  	s23 =	simm.s32 $0x1B8B  }
0xa2: {  	_ =	swait.ge [sflag:s23], $0x1  }
0xa3: {  	[sflag:s23] =	ssyncset.done $0x0  }
0xa4: {  	[sflag:s23] =	ssyncadd.s32 $0xFFFFFFFF  }
0xa5: {  	s4 =	sld [smem:$0x0]  }
0xa6: {  	s5 =	sand.u32 $0xFFFFFFFE, s1  }
0xa7: {  	p0 =	sne.s32 s1, s5  }
0xa8: {  	s5 =	sshll.u32 @p0 s5, $0xE  }
0xa9: {  	s5 =	sadd.s32 @p0 $0x11B8D, s5;
	s6 =	sshll.u32 @p0 s4, $0x11  }
0xaa: {  	s5 =	sor.u32 @p0 s6, s5  }
0xab: {  	[sflag:s5] =	ssyncadd.remote.s32 @p0 $0x1;
	_ =	sdelay $0x1  }
0xac: {  	s5 =	simm.s32 @p0 $0x1B8D  }
0xad: {  	_ =	swait.eq @p0 [sflag:s5], $0x1  }
0xae: {  	[sflag:s5] =	ssyncadd.s32 @p0 $0xFFFFFFFF  }
0xaf: {  	s6 =	sshll.u32 @!p0 s1, $0xE  }
0xb0: {  	s6 =	sor.u32 @!p0 $0x4000, s6;
	s5 =	simm.s32 @!p0 $0x1B8D  }
0xb1: {  	s4 =	sshll.u32 @!p0 s4, $0x11;
	s6 =	sadd.s32 @!p0 $0x11B8D, s6;
	_ =	swait.eq @!p0 [sflag:s5], $0x1  }
0xb2: {  	s4 =	sor.u32 @!p0 s4, s6;
	[sflag:s5] =	ssyncadd.s32 @!p0 $0xFFFFFFFF  }
0xb3: {  	s25 =	simm.s32 $0x1B8E;
	s24 =	sld [smem:$0x3FFE];
	[sflag:s4] =	ssyncadd.remote.s32 @!p0 $0x1  }
0xb4: {  	s26 =	simm.s32 $execute0_lowered;
	[smem:$0x3FD2] =	sst s25  }
0xb5: {  	s5 =	sshll.u32 s26, $0x1;
	_ =	strace $0x8000004C;
	[dreg:$0x1] =	wrdreg $0xFFFFFFFF  }
0xb6: {  	s28 =	simm.s32 $_size_execute0_lowered;
	s3 =	sadd.s32 s3, s5;
	[dreg:$0x0] =	wrdreg $0x0  }
0xb7: {  	s5 =	sshll.u32 s28, $0x1;
	[dreg:$0x2] =	wrdreg s3  }
0xb8: {  	[dreg:$0x3] =	wrdreg s5  }
0xb9: {  	[dreg:$0x4] =	wrdreg $0xC0  }
0xba: {  	_ =	task [dreg:s22], $0x5FFFF  }
0xbb: {  	[dreg:$0x1] =	wrdreg $0xFFFFFFFF  }
0xbc: {  	[dreg:$0x0] =	wrdreg $0x60  }
0xbd: {  	[dreg:$0x2] =	wrdreg s24  }
0xbe: {  	[dreg:$0x3] =	wrdreg $0x81000  }
0xbf: {  	[dreg:$0x4] =	wrdreg $0xA  }
0xc0: {  	_ =	task.clear_ibuf [dreg:s22], $0x5FFFF;
	_ =	strace $0x9000004C  }
0xc1: {  	s29 =	simm.s32 $0xA;
	_ =	strace $0x8000004E  }
0xc2: {  	_ =	swait.ge [sflag:s29], $0x1  }
0xc3: {  	[sflag:s29] =	ssyncadd.s32 $0xFFFFFFFF  }
0xc4: {  	_ =	strace $0x9000004E  }
0xc5: {  	_ =	sfence  }
0xc6: {  	s30 =	sld [smem:$0x0];
	_ =	sdelay $0x2  }
0xc7: {  	s31 =	sshll.u32 s1, $0xD;
	s1 =	sshrl.u32 s1, $0x2  }
0xc8: {  	s4 =	sand.u32 $0x4000, s31;
	s1 =	sadd.s32 s1, s30  }
0xc9: {  	s0 =	sor.u32 s4, s0;
	s1 =	sshll.u32 s1, $0x11  }
0xca: {  	s0 =	sor.u32 s1, s0  }
0xcb: {  	s0 =	sadd.s32 $0x8F2B, s0  }
0xcc: {  	[sflag:s0] =	ssyncadd.remote.s32 $0x1  }
0xcd: {  	_ =	sfence.sel $0xFFFF  }
0xce: {  	[dreg:$0x0] =	wrdreg $0xFFFFFFFF;
	(pc) =	sbr.abs _section_cstart, $3  }
0xcf: {  	[dreg:$0x1] =	wrdreg $0xFFFFFFFF  }
0xd0: {  	_ =	task.clear_ibuf [dreg:s22], $0x2FFFF;
	_ =	strace $0x9FFFFFFF  }
0xd1: {  	(tm) =	ssettm $0x7FFFFFFF  }
tec
execute0_lowered:
.L_overlay_start_1:
0x0: {  	(tag) =	ssettag $0x1  }
0x1: {  	s5 =	rddreg [dreg:$0x0]  }
0x2: {  	s1 =	rddreg [dreg:$0x1]  }
0x3: {  	s0 =	rddreg [dreg:$0x2];
	s9 =	stileid.u32  }
0x4: {  	s4 =	srdreg.scid;
	s3 =	smul.u32 $0x50000, s9  }
0x5: {  	s2 =	simm.s32 $0x0;
	s6 =	sand.u32 $0x1, s4;
	s13 =	smul.u32 $0xA00, s9  }
0x6: {  	s14 =	simm.s32 $0x0;
	[smem:$0x7FF] =	sst s2;
	s8 =	smul.u32 $0x27400, s6  }
0x7: {  	s4 =	sadd.s32 $0x5600, s5;
	p0 =	sne.s32 s9, $0x0;
	s11 =	smul.u32 $0x28000, s6  }
0x8: {  	_ =	strace $0x8000004D;
	s10 =	ssub.s32 $0x2, s6;
	s31 =	smul.u32 $0x500, s6  }
0x9: {  	s9 =	sshrl.u32 @!p0 s1, $0x3;
	s7 =	sadd.s32 s3, s5;
	s12 =	sshrl.u32 s10, $0x1  }
0xa: {  	s3 =	sadd.s32 $0x148000, s5;
	s5 =	sadd.s32 s8, s5;
	s30 =	ssub.s32 s10, s12  }
0xb: {  	s7 =	sadd.s32 s11, s7;
	s8 =	sadd.s32 s31, s13;
	s10 =	simm.s32 $0x1  }
0xc: {  	s11 =	simm.s32 $0x100;
	s12 =	simm.s32 $0x80;
	s13 =	simm.s32 $0x4100  }
0xd: {  	s5 =	sadd.s32 $0x7B200, s5;
	s6 =	smax.u32 s30, $0x1;
	s7 =	sadd.s32 $0x1676600, s7  }
.LBB2_1:
0xe: {  	s15 =	simm.s32 @!p0 $0x1C01  }
0xf: {  	[spmem:s9], [sflag:s15] =	dma.local @!p0 [hbm:s4], $0x27400  }
0x10: {  	s15 =	simm.s32 @!p0 $0x1  }
0x11: {  	_ =	swait.ge @!p0 [sflag:s15], $0x27400  }
0x12: {  	s16 =	sadd.s32 $0x0, s8;
	s17 =	sand.u32 $0x60, s2;
	[sflag:s15] =	ssyncset.done @!p0 $0x0  }
0x13: {  	s29 =	sand.u32 $0xFFFFF80, s16;
	s30 =	sadd.s32 s3, s17;
	[sflag:s15] =	ssyncadd.s32 @!p0 $0xFFFD8C00  }
0x14: {  	s15 =	sadd.s32 s29, s30;
	[bflag:$0x0] =	sbarrier.arrive $0xFFFF  }
0x15: {  	[tilespmem:s2], [sflag:$0x1] =	stream.linear.gather [hbm4b:s15+s2], $0x100, $0x38;
	[tilespmem:$0x1BB00] =	vst v63  }
0x16: {  	_ =	swait.ge [sflag:s10], $0x100  }
0x17: {  	[sflag:s10] =	ssyncset.done $0x0  }
0x18: {  	[sflag:s10] =	ssyncadd.s32 $0xFFFFFF00  }
0x19: {  	[tilespmem:s11], [sflag:$0x1] =	stream.linear.gather [hbm4b:s7+s2], $0x8000, $0x38;
	[tilespmem:$0x1BB00] =	vst v63  }
0x1a: {  	_ =	swait.ge [sflag:s10], $0x8000  }
0x1b: {  	[sflag:s10] =	ssyncset.done $0x0  }
0x1c: {  	[sflag:s10] =	ssyncadd.s32 $0xFFFF8000  }
0x1d: {  	[spmem:s1] =	stream.indirect.scatter.add.f32 [tilespmem:s11], [sflag:$0x1], $0x80, s2, s12, $0xb8;
	[tilespmem:$0x1BB00] =	vst v63  }
0x1e: {  	_ =	swait.ge [sflag:s10], $0x4000  }
0x1f: {  	s31 =	simm.s32 $0x20;
	[sflag:s10] =	ssyncset.done $0x0  }
0x20: {  	s18 =	sadd.s32 $0x20, s8;
	s16 =	simm.s32 $0x40;
	[sflag:s10] =	ssyncadd.s32 $0xFFFFC000  }
0x21: {  	[spmem:s1] =	stream.indirect.scatter.add.f32 [tilespmem:s13], [sflag:$0x1], $0x80, s12, s12, $0xb8;
	[tilespmem:$0x1BB00] =	vst v63  }
0x22: {  	s19 =	sand.u32 $0x60, s31;
	s17 =	sand.u32 $0xFFFFF80, s18;
	_ =	swait.ge [sflag:s10], $0x4000  }
0x23: {  	s18 =	sadd.s32 s3, s19;
	s15 =	sadd.s32 $0x1000, s7;
	[sflag:s10] =	ssyncset.done $0x0  }
.LBB2_2:
0x24: {  	s17 =	sadd.s32 s17, s18  }
0x25: {  	[sflag:s10] =	ssyncadd.s32 $0xFFFFC000;
	s18 =	smov.u32 s16;
	s19 =	sadd.s32 $0x20, s16  }
0x26: {  	[tilespmem:s2], [sflag:$0x1] =	stream.linear.gather [hbm4b:s17+s2], $0x100, $0x38;
	[tilespmem:$0x1BB00] =	vst v63  }
0x27: {  	p1 =	sne.s32 s16, $0x4E0;
	_ =	swait.ge [sflag:s10], $0x100  }
0x28: {  	[sflag:s10] =	ssyncset.done $0x0  }
0x29: {  	[sflag:s10] =	ssyncadd.s32 $0xFFFFFF00  }
0x2a: {  	[tilespmem:s11], [sflag:$0x1] =	stream.linear.gather [hbm4b:s15+s2], $0x8000, $0x38;
	[tilespmem:$0x1BB00] =	vst v63  }
0x2b: {  	_ =	swait.ge [sflag:s10], $0x8000  }
0x2c: {  	[sflag:s10] =	ssyncset.done $0x0  }
0x2d: {  	[sflag:s10] =	ssyncadd.s32 $0xFFFF8000  }
0x2e: {  	[spmem:s1] =	stream.indirect.scatter.add.f32 [tilespmem:s11], [sflag:$0x1], $0x80, s2, s12, $0xb8;
	[tilespmem:$0x1BB00] =	vst v63  }
0x2f: {  	_ =	swait.ge [sflag:s10], $0x4000  }
.Ltmp0:
0x30: {  	[sflag:s10] =	ssyncset.done $0x0;
	(pc) =	sbr.rel @p1 .LBB2_2-.Ltmp0, $4  }
0x31: {  	s16 =	sadd.s32 s18, s8;
	s15 =	sadd.s32 $0x1000, s15;
	[sflag:s10] =	ssyncadd.s32 $0xFFFFC000  }
0x32: {  	[spmem:s1] =	stream.indirect.scatter.add.f32 [tilespmem:s13], [sflag:$0x1], $0x80, s12, s12, $0xb8;
	[tilespmem:$0x1BB00] =	vst v63  }
0x33: {  	s18 =	sand.u32 $0x60, s18;
	s17 =	sand.u32 $0xFFFFF80, s16;
	_ =	swait.ge [sflag:s10], $0x4000  }
0x34: {  	s18 =	sadd.s32 s3, s18;
	s16 =	smov.u32 s19;
	[sflag:s10] =	ssyncset.done $0x0  }
0x35: {  	s16 =	sadd.s32 s17, s18;
	[sflag:s10] =	ssyncadd.s32 $0xFFFFC000  }
0x36: {  	[tilespmem:s2], [sflag:$0x1] =	stream.linear.gather [hbm4b:s16+s2], $0x100, $0x38;
	[tilespmem:$0x1BB00] =	vst v63  }
0x37: {  	_ =	swait.ge [sflag:s10], $0x100  }
0x38: {  	[sflag:s10] =	ssyncset.done $0x0  }
0x39: {  	[sflag:s10] =	ssyncadd.s32 $0xFFFFFF00  }
0x3a: {  	[tilespmem:s11], [sflag:$0x1] =	stream.linear.gather [hbm4b:s15+s2], $0x8000, $0x38;
	[tilespmem:$0x1BB00] =	vst v63  }
0x3b: {  	_ =	swait.ge [sflag:s10], $0x8000  }
0x3c: {  	[sflag:s10] =	ssyncset.done $0x0  }
0x3d: {  	[sflag:s10] =	ssyncadd.s32 $0xFFFF8000  }
0x3e: {  	[spmem:s1] =	stream.indirect.scatter.add.f32 [tilespmem:s11], [sflag:$0x1], $0x80, s2, s12, $0xb8;
	[tilespmem:$0x1BB00] =	vst v63  }
0x3f: {  	_ =	swait.ge [sflag:s10], $0x4000  }
0x40: {  	[sflag:s10] =	ssyncset.done $0x0  }
0x41: {  	[sflag:s10] =	ssyncadd.s32 $0xFFFFC000  }
0x42: {  	[spmem:s1] =	stream.indirect.scatter.add.f32 [tilespmem:s13], [sflag:$0x1], $0x80, s12, s12, $0xb8;
	[tilespmem:$0x1BB00] =	vst v63  }
0x43: {  	_ =	swait.ge [sflag:s10], $0x4000  }
0x44: {  	[sflag:s10] =	ssyncset.done $0x0  }
0x45: {  	s14 =	sadd.s32 $0x1, s14;
	[sflag:s10] =	ssyncadd.s32 $0xFFFFC000  }
0x46: {  	p1 =	sne.s32 s14, s6;
	s15 =	simm.s32 @!p0 $0x1C01;
	[bflag:$0x0] =	sbarrier.arrive $0xFFFF  }
0x47: {  	[hbm:s5], [sflag:s15] =	dma.local @!p0 [spmem:s9], $0x27400  }
.Ltmp1:
0x48: {  	_ = 	snop;
	(pc) =	sbr.rel @p1 .LBB2_1-.Ltmp1, $4  }
0x49: {  	s15 =	simm.s32 @!p0 $0x1  }
0x4a: {  	_ =	swait.ge @!p0 [sflag:s15], $0x27400  }
0x4b: {  	[sflag:s15] =	ssyncset.done @!p0 $0x0  }
0x4c: {  	[sflag:s15] =	ssyncadd.s32 @!p0 $0xFFFD8C00  }
0x4d: {  	_ =	sfence.sel $0x180000  }
0x4e: {  	[bflag:$0x0] =	sbarrier.arrive $0xFFFF  }
0x4f: {  	_ =	strace $0x9000004D  }
0x50: {  	s0 =	sadd.s32 @!p0 $0x100000, s0;
	[bflag:$0x2] =	sbarrier.arrive $0xFFFF  }
0x51: {  	[sflag:s0] =	ssyncadd.tile.s32 @!p0 $0x1;
	_ =	shalt  }
.Lfunc_end2:
_tile_overlayer_lowered:
.L_overlay_start_2:
0x52: {  	(tag) =	ssettag $0x2  }
0x53: {  	s0 =	rddreg [dreg:$0x0];
	s2 =	stileid.u32  }
0x54: {  	s1 =	rddreg [dreg:$0x1];
	p0 =	sne.s32 s2, $0x0  }
0x55: {  	s3 =	rddreg [dreg:$0x2];
	[bflag:$0x3] =	sbarrier.arrive $0xFFFF;
	s2 =	simm.s32 @!p0 $0x1C01  }
0x56: {  	[timem:s3], [sflag:s2] =	dma.local @!p0 [hbm:s0], s1  }
0x57: {  	s0 =	simm.s32 @!p0 $0x1  }
0x58: {  	_ =	swait.ge @!p0 [sflag:s0], s1  }
0x59: {  	s1 =	ssub.s32 @!p0 $0x0, s1;
	[sflag:s0] =	ssyncset.done @!p0 $0x0  }
0x5a: {  	[sflag:s0] =	ssyncadd.s32 @!p0 s1  }
0x5b: {  	[bflag:$0x3] =	sbarrier.arrive $0xFFFF  }
0x5c: {  	_ =	shalt  }

// kernel: kernel.8.cloned.1.call-start
scs
__scs_entry_jumppad:
0x0: {  	(pc) =	sbr.rel $0x88, $3  }
0x1: {  	(tag) =	ssettag $0x0;
	lr =	simm.s32 $0x1  }
0x2: {  	[smem:$0x3F91] =	sst lr;
	_ =	strace $0xD0000000  }
0x3: {  	_ = 	snop  }
0x4: {  	_ = 	snop  }
0x5: {  	_ = 	snop  }
0x6: {  	_ = 	snop  }
0x7: {  	_ = 	snop  }
__scs_overlays_trampoline_lowered:
0x8: {  	[smem:$0x3FA0] =	sst s0  }
0x9: {  	[smem:$0x3FA1] =	sst s1  }
0xa: {  	[smem:$0x3FA2] =	sst s2  }
0xb: {  	[smem:$0x3FA3] =	sst s3  }
0xc: {  	[smem:$0x3FA4] =	sst s4  }
0xd: {  	[smem:$0x3FA5] =	sst s5  }
0xe: {  	[smem:$0x3FA6] =	sst s6  }
0xf: {  	[smem:$0x3FA7] =	sst s7  }
0x10: {  	[smem:$0x3FA8] =	sst s8  }
0x11: {  	[smem:$0x3FA9] =	sst s9;
	s0 =	simm.s32 @!p0 $0x0  }
0x12: {  	s1 =	sld [smem:$0x3F8F];
	s0 =	simm.s32 @p0 $0x1  }
0x13: {  	[smem:$0x3FAA] =	sst s0;
	s0 =	simm.s32 @!p1 $0x0  }
0x14: {  	s2 =	sld [smem:$0x3F8E];
	s0 =	simm.s32 @p1 $0x1  }
0x15: {  	[smem:$0x3FAB] =	sst s0;
	s0 =	simm.s32 @!p2 $0x0  }
0x16: {  	s3 =	sld [smem:$0x3FDB];
	s0 =	simm.s32 @p2 $0x1  }
0x17: {  	s4 =	simm.s32 $0x1BF5;
	[smem:$0x3FAD] =	sst s0  }
0x18: {  	s0 =	sld [smem:$0x3F90];
	_ =	swait.ge [sflag:s4], $0x0  }
0x19: {  	s7 =	sld [smem:$0x3F91]  }
0x1a: {  	s8 =	sadd.s32 $0xFFFFE003, lr  }
0x1b: {  	s9 =	sadd.s32 $0xFFFFFEF7, lr;
	s5 =	simm.s32 $0xFFFFFFFF;
	p2 =	slt.u32 s8, $0xFFFFF086  }
0x1c: {  	p1 =	slt.u32 s9, $0xF7A;
	s5 =	simm.s32 @!p2 $0x0  }
0x1d: {  	s5 =	simm.s32 @p1 $0x1;
	p0 =	seq.s32 s7, s2  }
0x1e: {  	s7 =	smul.u32 @!p0 $0xF7A, s2;
	p2 =	seq.s32 @!p0 s5, $0x0  }
0x1f: {  	s9 =	smul.u32 $0xF7A, s1;
	s8 =	simm.s32 @!p0 $0x1BF5;
	p2 =	por !p2, p0  }
0x20: {  	[sflag:s8] =	ssyncset.s32 @!p0 $0xFFFFF086;
	s6 =	sadd.s32 @!p0 s3, s7;
	s7 =	simm.s32 @!p0 $0x108  }
0x21: {  	s3 =	sadd.s32 s3, s9;
	s6 =	sadd.s32 @!p0 $0x88, s6;
	s7 =	simm.s32 @p2 $0x1082  }
0x22: {  	[simem:s7], [sflag:s8] =	dma.local @!p0 [hbm:s6], $0xF7A  }
0x23: {  	s9 =	sor.u32 $0xD0000000, s2;
	s6 =	simm.s32 $0x108;
	_ =	swait.ge @!p0 [sflag:s8], $0x0  }
0x24: {  	s3 =	sadd.s32 $0x88, s3;
	s6 =	simm.s32 @!p1 $0x1082;
	[sflag:s4] =	ssyncset.s32 $0xFFFFF086  }
0x25: {  	[simem:s6], [sflag:s4] =	dma.local [hbm:s3], $0xF7A  }
0x26: {  	[smem:$0x3F91] =	sst s1;
	(tag) =	ssettag s2;
	_ =	strace s9  }
0x27: {  	s1 =	sld [smem:$0x3FA1]  }
0x28: {  	s2 =	sld [smem:$0x3FA2]  }
0x29: {  	s4 =	sld [smem:$0x3FA4]  }
0x2a: {  	p0 =	seq.s32 s5, $0x0;
	s5 =	sld [smem:$0x3FA5]  }
0x2b: {  	s6 =	sld [smem:$0x3FA6]  }
0x2c: {  	s7 =	sld [smem:$0x3FA7]  }
0x2d: {  	s3 =	simm.s32 $0x108;
	s8 =	sld [smem:$0x3FA8]  }
0x2e: {  	s3 =	simm.s32 @!p0 $0x1082;
	s9 =	sld [smem:$0x3FA9]  }
0x2f: {  	lr =	sadd.s32 s0, s3;
	s0 =	sld [smem:$0x3FA0]  }
0x30: {  	s3 =	sld [smem:$0x3FA3]  }
0x31: {  	[smem:$0x3FAC] =	sst s10  }
0x32: {  	s10 =	sld [smem:$0x3FAA];
	_ =	sdelay $0x3  }
0x33: {  	p0 =	seq.s32 s10, $0x1;
	s10 =	sld [smem:$0x3FAC];
	_ =	sdelay $0x3  }
0x34: {  	[smem:$0x3FAC] =	sst s10  }
0x35: {  	s10 =	sld [smem:$0x3FAB];
	_ =	sdelay $0x3  }
0x36: {  	p1 =	seq.s32 s10, $0x1;
	s10 =	sld [smem:$0x3FAC];
	_ =	sdelay $0x3  }
0x37: {  	[smem:$0x3FAC] =	sst s10  }
0x38: {  	s10 =	sld [smem:$0x3FAD]  }
0x39: {  	_ = 	snop;
	(pc) =	sbr.ind lr, $3  }
0x3a: {  	_ = 	snop  }
0x3b: {  	_ = 	snop  }
0x3c: {  	p2 =	seq.s32 s10, $0x1;
	s10 =	sld [smem:$0x3FAC]  }
0x3d: {  	_ =	shalt  }
0x3e: {  	_ =	shalt  }
0x3f: {  	_ =	shalt  }
0x40: {  	_ =	shalt  }
0x41: {  	_ =	shalt  }
0x42: {  	_ =	shalt  }
0x43: {  	_ =	shalt  }
0x44: {  	_ =	shalt  }
0x45: {  	_ =	shalt  }
0x46: {  	_ =	shalt  }
0x47: {  	_ =	shalt  }
0x48: {  	_ =	shalt  }
0x49: {  	_ =	shalt  }
0x4a: {  	_ =	shalt  }
0x4b: {  	_ =	shalt  }
0x4c: {  	_ =	shalt  }
0x4d: {  	_ =	shalt  }
0x4e: {  	_ =	shalt  }
0x4f: {  	_ =	shalt  }
0x50: {  	_ =	shalt  }
0x51: {  	_ =	shalt  }
0x52: {  	_ =	shalt  }
0x53: {  	_ =	shalt  }
0x54: {  	_ =	shalt  }
0x55: {  	_ =	shalt  }
0x56: {  	_ =	shalt  }
0x57: {  	_ =	shalt  }
0x58: {  	_ =	shalt  }
0x59: {  	_ =	shalt  }
0x5a: {  	_ =	shalt  }
0x5b: {  	_ =	shalt  }
0x5c: {  	_ =	shalt  }
0x5d: {  	_ =	shalt  }
0x5e: {  	_ =	shalt  }
0x5f: {  	_ =	shalt  }
0x60: {  	_ =	shalt  }
0x61: {  	_ =	shalt  }
0x62: {  	_ =	shalt  }
0x63: {  	_ =	shalt  }
0x64: {  	_ =	shalt  }
0x65: {  	_ =	shalt  }
0x66: {  	_ =	shalt  }
0x67: {  	_ =	shalt  }
0x68: {  	_ =	shalt  }
0x69: {  	_ =	shalt  }
0x6a: {  	_ =	shalt  }
0x6b: {  	_ =	shalt  }
0x6c: {  	_ =	shalt  }
0x6d: {  	_ =	shalt  }
0x6e: {  	_ =	shalt  }
0x6f: {  	_ =	shalt  }
0x70: {  	_ =	shalt  }
0x71: {  	_ =	shalt  }
0x72: {  	_ =	shalt  }
0x73: {  	_ =	shalt  }
0x74: {  	_ =	shalt  }
0x75: {  	_ =	shalt  }
0x76: {  	_ =	shalt  }
0x77: {  	_ =	shalt  }
0x78: {  	_ =	shalt  }
0x79: {  	_ =	shalt  }
0x7a: {  	_ =	shalt  }
0x7b: {  	_ =	shalt  }
0x7c: {  	_ =	shalt  }
0x7d: {  	_ =	shalt  }
0x7e: {  	_ =	shalt  }
0x7f: {  	_ =	shalt  }
0x80: {  	_ =	shalt  }
0x81: {  	_ =	shalt  }
0x82: {  	_ =	shalt  }
0x83: {  	_ =	shalt  }
0x84: {  	_ =	shalt  }
0x85: {  	_ =	shalt  }
0x86: {  	_ =	shalt  }
0x87: {  	_ =	shalt  }
.Lfunc_end0:
.L_simem_size_0:
called_computation_lowered:
.L_overlay_start_0:
0x88: {  	s2 =	sld [smem:$0x3FD9]  }
0x89: {  	s3 =	sld [smem:$0x3FFE];
	_ =	sdelay $0x1  }
0x8a: {  	s1 =	srdreg.scid  }
0x8b: {  	s0 =	sand.u32 $0x1, s1  }
0x8c: {  	s17 =	sshll.u32 s0, $0xA;
	s2 =	sadd.s32 s3, s2  }
0x8d: {  	s2 =	sadd.s32 s2, s17  }
0x8e: {  	[smem:$0x3FB8] =	sst s2  }
0x8f: {  	_ = 	snop  }
0x90: {  	s2 =	sld [smem:$0x3FD0];
	(tm) =	ssettm $0x1  }
0x91: {  	s18 =	sld [smem:$0x3FFB];
	_ =	sdelay $0x3  }
0x92: {  	_ =	strace s18  }
0x93: {  	s3 =	sld [smem:$0x3FFC];
	_ =	sdelay $0x3  }
0x94: {  	_ =	strace s3  }
0x95: {  	s3 =	sld [smem:$0x3FFD];
	_ =	sdelay $0x3  }
0x96: {  	_ =	strace s3  }
0x97: {  	_ =	strace $0x8FFFFFFF  }
0x98: {  	s19 =	sld [smem:$0x3FDB];
	_ =	sdelay $0x1  }
0x99: {  	s4 =	simm.s32 $_scs_section_size  }
0x9a: {  	s5 =	simm.s32 $_size__tile_overlayer_lowered;
	s6 =	simm.s32 $_tile_overlayer_lowered  }
0x9b: {  	s22 =	simm.s32 $0x1BFF;
	s21 =	sshll.u32 s6, $0x1;
	s3 =	sadd.s32 s4, s19  }
0x9c: {  	s7 =	simm.s32 $0x0;
	s20 =	sshll.u32 s5, $0x1;
	s5 =	sadd.s32 s21, s3  }
0x9d: {  	[timem:s7], [sflag:s22] =	dma.local [hbm:s5], s20  }
0x9e: {  	_ =	swait.ge [sflag:s22], s20  }
0x9f: {  	s4 =	ssub.s32 $0x0, s20;
	[sflag:s22] =	ssyncset.done $0x0  }
0xa0: {  	[sflag:s22] =	ssyncadd.s32 s4;
	_ =	sdelay $0x1  }
0xa1: {  	s23 =	simm.s32 $0x1B8B  }
0xa2: {  	_ =	swait.ge [sflag:s23], $0x1  }
0xa3: {  	[sflag:s23] =	ssyncset.done $0x0  }
0xa4: {  	s25 =	simm.s32 $0x1B8E;
	s24 =	sld [smem:$0x3FFE];
	[sflag:s23] =	ssyncadd.s32 $0xFFFFFFFF  }
0xa5: {  	s26 =	simm.s32 $execute0_lowered;
	[smem:$0x3FD2] =	sst s25  }
0xa6: {  	s5 =	sshll.u32 s26, $0x1;
	_ =	strace $0x80000046;
	[dreg:$0x1] =	wrdreg $0xFFFFFFFF  }
0xa7: {  	s28 =	simm.s32 $_size_execute0_lowered;
	s3 =	sadd.s32 s3, s5;
	[dreg:$0x0] =	wrdreg $0x0  }
0xa8: {  	s5 =	sshll.u32 s28, $0x1;
	[dreg:$0x2] =	wrdreg s3  }
0xa9: {  	[dreg:$0x3] =	wrdreg s5  }
0xaa: {  	[dreg:$0x4] =	wrdreg $0xC0  }
0xab: {  	_ =	task [dreg:s7], $0x5FFFF  }
0xac: {  	[dreg:$0x1] =	wrdreg $0xFFFFFFFF  }
0xad: {  	[dreg:$0x0] =	wrdreg $0x60  }
0xae: {  	[dreg:$0x2] =	wrdreg s24  }
0xaf: {  	[dreg:$0x3] =	wrdreg s2  }
0xb0: {  	[dreg:$0x4] =	wrdreg $0x9  }
0xb1: {  	_ =	task.clear_ibuf [dreg:s7], $0x5FFFF;
	_ =	strace $0x90000046  }
0xb2: {  	s29 =	simm.s32 $0x9;
	_ =	strace $0x80000048  }
0xb3: {  	_ =	swait.ge [sflag:s29], $0x1  }
0xb4: {  	[sflag:s29] =	ssyncadd.s32 $0xFFFFFFFF  }
0xb5: {  	_ =	strace $0x90000048  }
0xb6: {  	_ =	sfence  }
0xb7: {  	s30 =	sld [smem:$0x0];
	_ =	sdelay $0x2  }
0xb8: {  	s31 =	sshll.u32 s1, $0xD;
	s1 =	sshrl.u32 s1, $0x2  }
0xb9: {  	s3 =	sand.u32 $0x4000, s31;
	s1 =	sadd.s32 s1, s30  }
0xba: {  	s0 =	sor.u32 s3, s0;
	s1 =	sshll.u32 s1, $0x11  }
0xbb: {  	s0 =	sor.u32 s1, s0  }
0xbc: {  	s0 =	sadd.s32 $0x8F2B, s0  }
0xbd: {  	[sflag:s0] =	ssyncadd.remote.s32 $0x1  }
0xbe: {  	_ =	sfence.sel $0xFFFF  }
0xbf: {  	[dreg:$0x0] =	wrdreg $0xFFFFFFFF;
	(pc) =	sbr.abs _section_cstart, $3  }
0xc0: {  	[dreg:$0x1] =	wrdreg $0xFFFFFFFF  }
0xc1: {  	_ =	task.clear_ibuf [dreg:s7], $0x2FFFF;
	_ =	strace $0x9FFFFFFF  }
0xc2: {  	(tm) =	ssettm $0x7FFFFFFF  }
0xc3: {  	_ =	shalt  }
tec
execute0_lowered:
.L_overlay_start_1:
0x0: {  	(tag) =	ssettag $0x1  }
0x1: {  	s0 =	rddreg [dreg:$0x0]  }
0x2: {  	s1 =	rddreg [dreg:$0x1]  }
0x3: {  	s3 =	simm.s32 $0x0;
	s2 =	stileid.u32;
	s6 =	srdreg.scid  }
0x4: {  	s14 =	simm.s32 $0x100;
	s15 =	simm.s32 $0x80;
	s16 =	simm.s32 $0x200  }
0x5: {  	s17 =	simm.s32 $0x1;
	s18 =	simm.s32 $0x8200;
	s19 =	simm.s32 $0x10200  }
0x6: {  	s20 =	simm.s32 $0x4200;
	s21 =	simm.s32 $0x180;
	s22 =	simm.s32 $0xC200  }
0x7: {  	s23 =	simm.s32 $0x14200;
	s24 =	simm.s32 $0x0;
	[smem:$0x7FF] =	sst s3  }
0x8: {  	s4 =	sadd.s32 $0x1DA200, s0;
	s5 =	sadd.s32 $0x5600, s0;
	s7 =	smul.u32 $0x50000, s2  }
0x9: {  	s8 =	sand.u32 $0x1, s6;
	s6 =	sadd.s32 $0xA1A00, s0;
	s12 =	smul.u32 $0xA00, s2  }
0xa: {  	_ =	strace $0x80000047;
	s9 =	ssub.s32 $0x2, s8;
	s10 =	smul.u32 $0x28000, s8  }
0xb: {  	s13 =	smul.u32 $0x500, s8;
	s7 =	sadd.s32 s7, s0;
	s11 =	sshrl.u32 s9, $0x1  }
0xc: {  	s9 =	ssub.s32 s9, s11;
	s31 =	sadd.s32 s10, s7;
	s7 =	sadd.s32 $0x13DE00, s0  }
0xd: {  	s12 =	sadd.s32 s13, s12;
	s8 =	smax.u32 s9, $0x1;
	s9 =	sadd.s32 $0xC76600, s31  }
0xe: {  	s13 =	simm.s32 $0x2;
	s10 =	sadd.s32 $0x776600, s31;
	s11 =	sadd.s32 $0x276600, s31  }
.LBB2_1:
0xf: {  	s0 =	sadd.s32 $0x0, s12  }
0x10: {  	s25 =	sand.u32 $0x60, s3;
	s0 =	sand.u32 $0xFFFFF80, s0  }
0x11: {  	s0 =	sor.u32 s25, s0  }
0x12: {  	s25 =	sadd.s32 s7, s0  }
0x13: {  	[tilespmem:s3], [sflag:$0x2] =	stream.linear.gather [hbm4b:s25+s3], $0x100, $0x38;
	[tilespmem:$0x18200] =	vst v63  }
0x14: {  	_ =	swait.ge [sflag:s13], $0x100  }
0x15: {  	[sflag:s13] =	ssyncset.done $0x0  }
0x16: {  	s0 =	sadd.s32 s1, s0;
	[sflag:s13] =	ssyncadd.s32 $0xFFFFFF00  }
0x17: {  	[tilespmem:s14], [sflag:$0x2] =	stream.linear.gather [hbm4b:s0+s3], $0x100, $0x38;
	[tilespmem:$0x18200] =	vst v63  }
0x18: {  	_ =	swait.ge [sflag:s13], $0x100  }
0x19: {  	[sflag:s13] =	ssyncset.done $0x0  }
0x1a: {  	[sflag:s13] =	ssyncadd.s32 $0xFFFFFF00  }
0x1b: {  	[tilespmem:s16], [sflag:$0x1] =	stream.indirect.gather [hbm4b:s4+s15], $0x80, s3, s15, $0xb8;
	[tilespmem:$0x18200] =	vst v63  }
0x1c: {  	_ =	swait.ge [sflag:s17], $0x4000  }
0x1d: {  	[sflag:s17] =	ssyncset.done $0x0  }
0x1e: {  	[sflag:s17] =	ssyncadd.s32 $0xFFFFC000  }
0x1f: {  	[tilespmem:s18], [sflag:$0x1] =	stream.indirect.gather [hbm4b:s5+s15], $0x80, s14, s15, $0xb8;
	[tilespmem:$0x18200] =	vst v63  }
0x20: {  	_ =	swait.ge [sflag:s17], $0x4000  }
0x21: {  	[sflag:s17] =	ssyncset.done $0x0  }
0x22: {  	[sflag:s17] =	ssyncadd.s32 $0xFFFFC000  }
0x23: {  	[tilespmem:s19], [sflag:$0x1] =	stream.indirect.gather [hbm4b:s6+s15], $0x80, s3, s15, $0xb8;
	[tilespmem:$0x18200] =	vst v63  }
0x24: {  	_ =	swait.ge [sflag:s17], $0x4000  }
0x25: {  	[sflag:s17] =	ssyncset.done $0x0  }
0x26: {  	[sflag:s17] =	ssyncadd.s32 $0xFFFFC000  }
0x27: {  	[tilespmem:s20], [sflag:$0x1] =	stream.indirect.gather [hbm4b:s4+s15], $0x80, s15, s15, $0xb8;
	[tilespmem:$0x18200] =	vst v63  }
0x28: {  	_ =	swait.ge [sflag:s17], $0x4000  }
0x29: {  	[sflag:s17] =	ssyncset.done $0x0  }
0x2a: {  	[sflag:s17] =	ssyncadd.s32 $0xFFFFC000  }
0x2b: {  	[tilespmem:s22], [sflag:$0x1] =	stream.indirect.gather [hbm4b:s5+s15], $0x80, s21, s15, $0xb8;
	[tilespmem:$0x18200] =	vst v63  }
0x2c: {  	_ =	swait.ge [sflag:s17], $0x4000  }
0x2d: {  	[sflag:s17] =	ssyncset.done $0x0  }
0x2e: {  	[sflag:s17] =	ssyncadd.s32 $0xFFFFC000  }
0x2f: {  	[tilespmem:s23], [sflag:$0x1] =	stream.indirect.gather [hbm4b:s6+s15], $0x80, s15, s15, $0xb8;
	[tilespmem:$0x18200] =	vst v63  }
0x30: {  	_ =	swait.ge [sflag:s17], $0x4000  }
0x31: {  	[sflag:s17] =	ssyncset.done $0x0  }
0x32: {  	[sflag:s17] =	ssyncadd.s32 $0xFFFFC000  }
0x33: {  	[hbm4b:s11+s3] =	stream.linear.scatter [tilespmem:s16], [sflag:$0x2], $0x8000, $0x38;
	[tilespmem:$0x18200] =	vst v63  }
0x34: {  	_ =	swait.ge [sflag:s13], $0x8000  }
0x35: {  	[sflag:s13] =	ssyncset.done $0x0  }
0x36: {  	[sflag:s13] =	ssyncadd.s32 $0xFFFF8000  }
0x37: {  	[hbm4b:s10+s3] =	stream.linear.scatter [tilespmem:s18], [sflag:$0x2], $0x8000, $0x38;
	[tilespmem:$0x18200] =	vst v63  }
0x38: {  	s30 =	simm.s32 $0x20;
	_ =	swait.ge [sflag:s13], $0x8000  }
0x39: {  	s29 =	simm.s32 $0x40;
	s28 =	sadd.s32 $0x20, s12;
	[sflag:s13] =	ssyncset.done $0x0  }
0x3a: {  	s26 =	sadd.s32 $0x1000, s11;
	s28 =	sand.u32 $0xFFFFF80, s28;
	[sflag:s13] =	ssyncadd.s32 $0xFFFF8000  }
0x3b: {  	[hbm4b:s9+s3] =	stream.linear.scatter [tilespmem:s19], [sflag:$0x2], $0x8000, $0x38;
	[tilespmem:$0x18200] =	vst v63  }
0x3c: {  	s25 =	sadd.s32 $0x1000, s10;
	s0 =	sand.u32 $0x60, s30;
	_ =	swait.ge [sflag:s13], $0x8000  }
0x3d: {  	s31 =	sor.u32 s0, s28;
	s28 =	sadd.s32 $0x1000, s9;
	[sflag:s13] =	ssyncset.done $0x0  }
.LBB2_2:
0x3e: {  	s2 =	sadd.s32 s7, s31  }
0x3f: {  	[sflag:s13] =	ssyncadd.s32 $0xFFFF8000;
	s30 =	smov.u32 s29;
	s0 =	sadd.s32 $0x20, s29  }
0x40: {  	[tilespmem:s3], [sflag:$0x2] =	stream.linear.gather [hbm4b:s2+s3], $0x100, $0x38;
	[tilespmem:$0x18200] =	vst v63  }
0x41: {  	p0 =	sne.s32 s29, $0x4E0;
	_ =	swait.ge [sflag:s13], $0x100  }
0x42: {  	[sflag:s13] =	ssyncset.done $0x0  }
0x43: {  	s2 =	sadd.s32 s1, s31;
	[sflag:s13] =	ssyncadd.s32 $0xFFFFFF00  }
0x44: {  	[tilespmem:s14], [sflag:$0x2] =	stream.linear.gather [hbm4b:s2+s3], $0x100, $0x38;
	[tilespmem:$0x18200] =	vst v63  }
0x45: {  	_ =	swait.ge [sflag:s13], $0x100  }
0x46: {  	[sflag:s13] =	ssyncset.done $0x0  }
0x47: {  	[sflag:s13] =	ssyncadd.s32 $0xFFFFFF00  }
0x48: {  	[tilespmem:s16], [sflag:$0x1] =	stream.indirect.gather [hbm4b:s4+s15], $0x80, s3, s15, $0xb8;
	[tilespmem:$0x18200] =	vst v63  }
0x49: {  	_ =	swait.ge [sflag:s17], $0x4000  }
0x4a: {  	[sflag:s17] =	ssyncset.done $0x0  }
0x4b: {  	[sflag:s17] =	ssyncadd.s32 $0xFFFFC000  }
0x4c: {  	[tilespmem:s18], [sflag:$0x1] =	stream.indirect.gather [hbm4b:s5+s15], $0x80, s14, s15, $0xb8;
	[tilespmem:$0x18200] =	vst v63  }
0x4d: {  	_ =	swait.ge [sflag:s17], $0x4000  }
0x4e: {  	[sflag:s17] =	ssyncset.done $0x0  }
0x4f: {  	[sflag:s17] =	ssyncadd.s32 $0xFFFFC000  }
0x50: {  	[tilespmem:s19], [sflag:$0x1] =	stream.indirect.gather [hbm4b:s6+s15], $0x80, s3, s15, $0xb8;
	[tilespmem:$0x18200] =	vst v63  }
0x51: {  	_ =	swait.ge [sflag:s17], $0x4000  }
0x52: {  	[sflag:s17] =	ssyncset.done $0x0  }
0x53: {  	[sflag:s17] =	ssyncadd.s32 $0xFFFFC000  }
0x54: {  	[tilespmem:s20], [sflag:$0x1] =	stream.indirect.gather [hbm4b:s4+s15], $0x80, s15, s15, $0xb8;
	[tilespmem:$0x18200] =	vst v63  }
0x55: {  	_ =	swait.ge [sflag:s17], $0x4000  }
0x56: {  	[sflag:s17] =	ssyncset.done $0x0  }
0x57: {  	[sflag:s17] =	ssyncadd.s32 $0xFFFFC000  }
0x58: {  	[tilespmem:s22], [sflag:$0x1] =	stream.indirect.gather [hbm4b:s5+s15], $0x80, s21, s15, $0xb8;
	[tilespmem:$0x18200] =	vst v63  }
0x59: {  	_ =	swait.ge [sflag:s17], $0x4000  }
0x5a: {  	[sflag:s17] =	ssyncset.done $0x0  }
0x5b: {  	[sflag:s17] =	ssyncadd.s32 $0xFFFFC000  }
0x5c: {  	[tilespmem:s23], [sflag:$0x1] =	stream.indirect.gather [hbm4b:s6+s15], $0x80, s15, s15, $0xb8;
	[tilespmem:$0x18200] =	vst v63  }
0x5d: {  	_ =	swait.ge [sflag:s17], $0x4000  }
0x5e: {  	[sflag:s17] =	ssyncset.done $0x0  }
0x5f: {  	[sflag:s17] =	ssyncadd.s32 $0xFFFFC000  }
0x60: {  	[hbm4b:s26+s3] =	stream.linear.scatter [tilespmem:s16], [sflag:$0x2], $0x8000, $0x38;
	[tilespmem:$0x18200] =	vst v63  }
0x61: {  	_ =	swait.ge [sflag:s13], $0x8000  }
0x62: {  	[sflag:s13] =	ssyncset.done $0x0  }
0x63: {  	[sflag:s13] =	ssyncadd.s32 $0xFFFF8000  }
0x64: {  	[hbm4b:s25+s3] =	stream.linear.scatter [tilespmem:s18], [sflag:$0x2], $0x8000, $0x38;
	[tilespmem:$0x18200] =	vst v63  }
0x65: {  	s29 =	sand.u32 $0x60, s30;
	s2 =	sadd.s32 s30, s12;
	_ =	swait.ge [sflag:s13], $0x8000  }
.Ltmp0:
0x66: {  	s26 =	sadd.s32 $0x1000, s26;
	[sflag:s13] =	ssyncset.done $0x0;
	(pc) =	sbr.rel @p0 .LBB2_2-.Ltmp0, $4  }
0x67: {  	s2 =	sand.u32 $0xFFFFF80, s2;
	s25 =	sadd.s32 $0x1000, s25;
	[sflag:s13] =	ssyncadd.s32 $0xFFFF8000  }
0x68: {  	[hbm4b:s28+s3] =	stream.linear.scatter [tilespmem:s19], [sflag:$0x2], $0x8000, $0x38;
	[tilespmem:$0x18200] =	vst v63  }
0x69: {  	s31 =	sor.u32 s29, s2;
	_ =	swait.ge [sflag:s13], $0x8000  }
0x6a: {  	s29 =	smov.u32 s0;
	s28 =	sadd.s32 $0x1000, s28;
	[sflag:s13] =	ssyncset.done $0x0  }
0x6b: {  	s0 =	sadd.s32 s7, s31;
	[sflag:s13] =	ssyncadd.s32 $0xFFFF8000  }
0x6c: {  	[tilespmem:s3], [sflag:$0x2] =	stream.linear.gather [hbm4b:s0+s3], $0x100, $0x38;
	[tilespmem:$0x18200] =	vst v63  }
0x6d: {  	_ =	swait.ge [sflag:s13], $0x100  }
0x6e: {  	[sflag:s13] =	ssyncset.done $0x0  }
0x6f: {  	s31 =	sadd.s32 s1, s31;
	[sflag:s13] =	ssyncadd.s32 $0xFFFFFF00  }
0x70: {  	[tilespmem:s14], [sflag:$0x2] =	stream.linear.gather [hbm4b:s31+s3], $0x100, $0x38;
	[tilespmem:$0x18200] =	vst v63  }
0x71: {  	_ =	swait.ge [sflag:s13], $0x100  }
0x72: {  	[sflag:s13] =	ssyncset.done $0x0  }
0x73: {  	[sflag:s13] =	ssyncadd.s32 $0xFFFFFF00  }
0x74: {  	[tilespmem:s16], [sflag:$0x1] =	stream.indirect.gather [hbm4b:s4+s15], $0x80, s3, s15, $0xb8;
	[tilespmem:$0x18200] =	vst v63  }
0x75: {  	_ =	swait.ge [sflag:s17], $0x4000  }
0x76: {  	[sflag:s17] =	ssyncset.done $0x0  }
0x77: {  	[sflag:s17] =	ssyncadd.s32 $0xFFFFC000  }
0x78: {  	[tilespmem:s18], [sflag:$0x1] =	stream.indirect.gather [hbm4b:s5+s15], $0x80, s14, s15, $0xb8;
	[tilespmem:$0x18200] =	vst v63  }
0x79: {  	_ =	swait.ge [sflag:s17], $0x4000  }
0x7a: {  	[sflag:s17] =	ssyncset.done $0x0  }
0x7b: {  	[sflag:s17] =	ssyncadd.s32 $0xFFFFC000  }
0x7c: {  	[tilespmem:s19], [sflag:$0x1] =	stream.indirect.gather [hbm4b:s6+s15], $0x80, s3, s15, $0xb8;
	[tilespmem:$0x18200] =	vst v63  }
0x7d: {  	_ =	swait.ge [sflag:s17], $0x4000  }
0x7e: {  	[sflag:s17] =	ssyncset.done $0x0  }
0x7f: {  	[sflag:s17] =	ssyncadd.s32 $0xFFFFC000  }
0x80: {  	[tilespmem:s20], [sflag:$0x1] =	stream.indirect.gather [hbm4b:s4+s15], $0x80, s15, s15, $0xb8;
	[tilespmem:$0x18200] =	vst v63  }
0x81: {  	_ =	swait.ge [sflag:s17], $0x4000  }
0x82: {  	[sflag:s17] =	ssyncset.done $0x0  }
0x83: {  	[sflag:s17] =	ssyncadd.s32 $0xFFFFC000  }
0x84: {  	[tilespmem:s22], [sflag:$0x1] =	stream.indirect.gather [hbm4b:s5+s15], $0x80, s21, s15, $0xb8;
	[tilespmem:$0x18200] =	vst v63  }
0x85: {  	_ =	swait.ge [sflag:s17], $0x4000  }
0x86: {  	[sflag:s17] =	ssyncset.done $0x0  }
0x87: {  	[sflag:s17] =	ssyncadd.s32 $0xFFFFC000  }
0x88: {  	[tilespmem:s23], [sflag:$0x1] =	stream.indirect.gather [hbm4b:s6+s15], $0x80, s15, s15, $0xb8;
	[tilespmem:$0x18200] =	vst v63  }
0x89: {  	_ =	swait.ge [sflag:s17], $0x4000  }
0x8a: {  	[sflag:s17] =	ssyncset.done $0x0  }
0x8b: {  	[sflag:s17] =	ssyncadd.s32 $0xFFFFC000  }
0x8c: {  	[hbm4b:s26+s3] =	stream.linear.scatter [tilespmem:s16], [sflag:$0x2], $0x8000, $0x38;
	[tilespmem:$0x18200] =	vst v63  }
0x8d: {  	_ =	swait.ge [sflag:s13], $0x8000  }
0x8e: {  	[sflag:s13] =	ssyncset.done $0x0  }
0x8f: {  	[sflag:s13] =	ssyncadd.s32 $0xFFFF8000  }
0x90: {  	[hbm4b:s25+s3] =	stream.linear.scatter [tilespmem:s18], [sflag:$0x2], $0x8000, $0x38;
	[tilespmem:$0x18200] =	vst v63  }
0x91: {  	s24 =	sadd.s32 $0x1, s24;
	_ =	swait.ge [sflag:s13], $0x8000  }
0x92: {  	p0 =	sne.s32 s24, s8;
	[sflag:s13] =	ssyncset.done $0x0  }
.Ltmp1:
0x93: {  	[sflag:s13] =	ssyncadd.s32 $0xFFFF8000;
	(pc) =	sbr.rel @p0 .LBB2_1-.Ltmp1, $4  }
0x94: {  	[hbm4b:s28+s3] =	stream.linear.scatter [tilespmem:s19], [sflag:$0x2], $0x8000, $0x38;
	[tilespmem:$0x18200] =	vst v63  }
0x95: {  	_ =	swait.ge [sflag:s13], $0x8000  }
0x96: {  	[sflag:s13] =	ssyncset.done $0x0  }
0x97: {  	[sflag:s13] =	ssyncadd.s32 $0xFFFF8000  }
0x98: {  	_ =	sfence.sel $0x180000  }
0x99: {  	[bflag:$0x0] =	sbarrier.arrive $0xFFFF  }
0x9a: {  	_ =	strace $0x90000047  }
0x9b: {  	s0 =	stileid.u32;
	[bflag:$0x2] =	sbarrier.arrive $0xFFFF  }
0x9c: {  	p0 =	sne.s32 s0, $0x0;
	s0 =	rddreg [dreg:$0x2]  }
0x9d: {  	s0 =	sadd.s32 @!p0 $0x100000, s0  }
0x9e: {  	[sflag:s0] =	ssyncadd.tile.s32 @!p0 $0x1;
	_ =	shalt  }
.Lfunc_end2:
_tile_overlayer_lowered:
.L_overlay_start_2:
0x9f: {  	(tag) =	ssettag $0x2  }
0xa0: {  	s0 =	rddreg [dreg:$0x0];
	s2 =	stileid.u32  }
0xa1: {  	s1 =	rddreg [dreg:$0x1];
	p0 =	sne.s32 s2, $0x0  }
0xa2: {  	s3 =	rddreg [dreg:$0x2];
	[bflag:$0x3] =	sbarrier.arrive $0xFFFF;
	s2 =	simm.s32 @!p0 $0x1C02  }
0xa3: {  	[timem:s3], [sflag:s2] =	dma.local @!p0 [hbm:s0], s1  }
0xa4: {  	s0 =	simm.s32 @!p0 $0x2  }
0xa5: {  	_ =	swait.ge @!p0 [sflag:s0], s1  }
0xa6: {  	s1 =	ssub.s32 @!p0 $0x0, s1;
	[sflag:s0] =	ssyncset.done @!p0 $0x0  }
0xa7: {  	[sflag:s0] =	ssyncadd.s32 @!p0 s1  }
0xa8: {  	[bflag:$0x3] =	sbarrier.arrive $0xFFFF  }
0xa9: {  	_ =	shalt  }

</sc_bundles>
